<compile_context>
chip_gen: v7x
topology: tpu7x:2x2x1
jax: 0.10.2.dev20260603
libtpu: 0.0.44.dev20260713+nightly
codegen_flags: <defaults>
</compile_context>

<pallas_src>
import functools

import jax
import jax.numpy as jnp
from jax import lax
from jax.experimental import pallas as pl
from jax.experimental.pallas import tpu as pltpu
from jax.experimental.pallas import tpu_sc as plsc

VOCAB = 1000000
DIM = 64
SEQ = 200
BATCH = 4096

NC = 2
NS = 16
LANES = 16
NW = NC * NS
COLS = BATCH // NW

VB = 32768
NGRID = (VOCAB + VB - 1) // VB
VSPAN = NGRID * VB
SEG = VSPAN // NS


def _proj_body(tblt_ref, w_ref, b_ref, out_ref):
    pid = pl.program_id(0)
    blk = tblt_ref[...]
    w = w_ref[...]
    prod = lax.dot_general(w, blk, (((1,), (0,)), ((), ())),
                           preferred_element_type=jnp.float32)
    rows = lax.broadcasted_iota(jnp.int32, (1, VB), 1) + pid * VB
    out_ref[...] = jnp.where(rows == 0, 0.0, prod) + b_ref[0, 0]


def _make_proj(table, w, b):
    proj2d = pl.pallas_call(
        _proj_body,
        grid=(NGRID,),
        in_specs=[
            pl.BlockSpec((DIM, VB), lambda i: (0, i)),
            pl.BlockSpec((1, DIM), lambda i: (0, 0)),
            pl.BlockSpec((1, 1), lambda i: (0, 0)),
        ],
        out_specs=pl.BlockSpec((1, VB), lambda i: (0, i)),
        out_shape=jax.ShapeDtypeStruct((1, VSPAN), jnp.float32),
    )(table.T, w, b)
    return proj2d.reshape(VSPAN)


_SC_MESH = plsc.VectorSubcoreMesh(core_axis_name="c", subcore_axis_name="s")


@functools.partial(
    pl.kernel,
    out_type=jax.ShapeDtypeStruct((BATCH,), jnp.float32),
    mesh=_SC_MESH,
    scratch_types=[
        pltpu.VMEM((SEQ, COLS), jnp.int32),
        pltpu.VMEM((SEQ, COLS), jnp.float32),
        pltpu.VMEM((COLS,), jnp.float32),
        pltpu.VMEM_SHARED((VSPAN,), jnp.float32),
        pltpu.SemaphoreType.DMA,
        pltpu.SemaphoreType.DMA,
    ],
)
def _sc_pool(text_hbm, proj_hbm, out_hbm, idx_v, vals_v, out_v, proj_sh, sem,
             sem2):
    sid = lax.axis_index("s")
    wid = sid * NC + lax.axis_index("c")
    base = wid * COLS
    stage = pltpu.async_copy(
        proj_hbm.at[pl.ds(sid * SEG, SEG)], proj_sh.at[pl.ds(sid * SEG, SEG)],
        sem2)
    pltpu.sync_copy(text_hbm.at[:, pl.ds(base, COLS)], idx_v)
    stage.wait()
    plsc.subcore_barrier()
    NG = SEQ // 8
    NJ = COLS // LANES

    def issue(g):
        for u in range(8):
            s = g * 8 + u
            pltpu.async_copy(proj_sh.at[idx_v.at[s]], vals_v.at[s], sem)

    issue(0)
    issue(1)
    issue(2)

    def body(g, accs):
        @pl.when(g < NG - 3)
        def _():
            issue_g = g + 3
            for u in range(8):
                s = issue_g * 8 + u
                pltpu.async_copy(proj_sh.at[idx_v.at[s]], vals_v.at[s], sem)
        for u in range(8):
            pltpu.make_async_copy(
                proj_hbm.at[idx_v.at[0]], vals_v.at[0], sem).wait()
        new = []
        for jv in range(NJ):
            a = accs[jv]
            for u in range(8):
                a = a + vals_v[g * 8 + u, pl.ds(jv * LANES, LANES)]
            new.append(a)
        return tuple(new)

    accs = lax.fori_loop(
        0, NG, body, tuple(jnp.zeros((LANES,), jnp.float32) for _ in range(NJ)))
    inv = jnp.float32(1.0 / SEQ)
    for jv in range(NJ):
        out_v[pl.ds(jv * LANES, LANES)] = accs[jv] * inv
    pltpu.sync_copy(out_v, out_hbm.at[pl.ds(base, COLS)])


def kernel(text, text_len, table, W, b):
    del text_len
    text = text.astype(jnp.int32)
    proj = _make_proj(table, W, b.reshape(1, 1))
    out = _sc_pool(text, proj)
    return out.reshape(BATCH, 1)

# --- scband reference (transcript-rebuilt; emitter-appended) ---
"""Pipeline reference for scband-swem-avg-25537875542068 (READ-ONLY COPY).

The authoritative reference and input builder live on the scoring server;
editing this copy changes nothing except your own understanding.
"""

import jax, jax.numpy as jnp
import numpy as np

VOCAB = 1000000
DIM = 64
SEQ = 200
BATCH = 4096
PAD_IDX = 0

def setup_inputs(seed: int = 0) -> dict:
    key = jax.random.key(seed)
    k_text, k_len, k_tbl, k_w, k_b = jax.random.split(key, 5)
    text = jax.random.randint(k_text, (SEQ, BATCH), 0, VOCAB, dtype=jnp.int64)
    text_len = jax.random.randint(k_len, (BATCH,), 0, SEQ, dtype=jnp.int64)
    table = jax.random.normal(k_tbl, (VOCAB, DIM), dtype=jnp.float32)
    W = jax.random.normal(k_w, (1, DIM), dtype=jnp.float32) * 0.1
    b = jax.random.normal(k_b, (1,), dtype=jnp.float32) * 0.1
    return {"text": text, "text_len": text_len, "table": table, "W": W, "b": b}

def reference(text, text_len, table, W, b):
    # nn.Embedding with padding_idx: pad row is zero
    tbl = table.at[PAD_IDX].set(0.0)
    embedded = tbl[text]                      # [S, B, D] gather
    # permute(1,2,0) -> [B, D, S]; avg_pool1d over full S == mean over seq axis
    pooled = jnp.mean(embedded, axis=0)       # [B, D]
    out = pooled @ W.T + b                    # [B, 1]
    # dropout p=0.0 -> identity
    return out

if __name__ == "__main__":
    import jax
    _d = setup_inputs()
    print(jax.jit(kernel)(*tuple(_d.values())))

</pallas_src>

<mosaic_0001>
#map = affine_map<(d0, d1) -> (0, 0)>
#map1 = affine_map<(d0, d1) -> (0)>
module attributes {stable_mosaic.version = 14 : i64} {
  func.func @_sc_pool(%arg0: i32, %arg1: i32, %arg2: memref<200x4096xi32, #tpu.memory_space<hbm>>, %arg3: memref<1015808xf32, #tpu.memory_space<hbm>>, %arg4: memref<4096xf32, #tpu.memory_space<hbm>>, %arg5: memref<200x128xi32, #tpu.memory_space<vmem>>, %arg6: memref<200x128xf32, #tpu.memory_space<vmem>>, %arg7: memref<128xf32, #tpu.memory_space<vmem>>, %arg8: memref<1015808xf32, #tpu.memory_space<vmem_shared>>, %arg9: memref<!tpu.dma_semaphore, #tpu.memory_space<semaphore_mem>>, %arg10: memref<!tpu.dma_semaphore, #tpu.memory_space<semaphore_mem>>) attributes {dimension_semantics = [#tpu.dimension_semantics<core_parallel>, #tpu.dimension_semantics<subcore_parallel>], iteration_bounds = array<i64: 2, 16>, scalar_prefetch = 0 : i64, scratch_operands = 6 : i64, tpu.core_type = #tpu.core_type<sc_vector_subcore>, window_params = [{transform_indices = #map}, {transform_indices = #map1}, {transform_indices = #map1}]} {
    %mul3A = arith.constant 2 : i32
    %mul3A_0 = arith.muli %arg1, %mul3A : i32
    %add3A = arith.addi %mul3A_0, %arg0 : i32
    %mul3A_1 = arith.constant 128 : i32
    %mul3A_2 = arith.muli %add3A, %mul3A_1 : i32
    %mul3A_3 = arith.constant 63488 : i32
    %mul3A_4 = arith.muli %arg1, %mul3A_3 : i32
    %mul3A_5 = arith.constant 63488 : i32
    %mul3A_6 = arith.muli %arg1, %mul3A_5 : i32
    %dma_start3A = tpu.memref_slice %arg8[%mul3A_6] : memref<1015808xf32, #tpu.memory_space<vmem_shared>> -> memref<63488xf32, #tpu.memory_space<vmem_shared>>
    %dma_start3A_7 = tpu.memref_slice %arg3[%mul3A_4] : memref<1015808xf32, #tpu.memory_space<hbm>> -> memref<63488xf32, #tpu.memory_space<hbm>>
    tpu.enqueue_dma source(%dma_start3A_7 : memref<63488xf32, #tpu.memory_space<hbm>>) target(%dma_start3A : memref<63488xf32, #tpu.memory_space<vmem_shared>>) target_semaphore(%arg10 : memref<!tpu.dma_semaphore, #tpu.memory_space<semaphore_mem>>)
    "tpu.region"() ({
      %run_scoped3A = tpu.sem_alloc : memref<!tpu.dma_semaphore, #tpu.memory_space<semaphore_mem>>
      %dma_start3A_324 = arith.constant 0 : i32
      %dma_start3A_325 = tpu.memref_slice %arg2[%dma_start3A_324, %mul3A_2] : memref<200x4096xi32, #tpu.memory_space<hbm>> -> memref<200x128xi32, #tpu.memory_space<hbm>>
      %dma_start3A_326 = arith.constant 0 : i32
      %dma_start3A_327 = tpu.memref_slice %arg2[%dma_start3A_326, %mul3A_2] : memref<200x4096xi32, #tpu.memory_space<hbm>> -> memref<200x128xi32, #tpu.memory_space<hbm>>
      tpu.enqueue_dma source(%dma_start3A_327 : memref<200x128xi32, #tpu.memory_space<hbm>>) target(%arg5 : memref<200x128xi32, #tpu.memory_space<vmem>>) target_semaphore(%run_scoped3A : memref<!tpu.dma_semaphore, #tpu.memory_space<semaphore_mem>>)
      %dma_wait3A_328 = arith.constant 0 : i32
      %dma_wait3A_329 = tpu.memref_slice %arg2[%dma_wait3A_328, %mul3A_2] : memref<200x4096xi32, #tpu.memory_space<hbm>> -> memref<200x128xi32, #tpu.memory_space<hbm>>
      %dma_wait3A_330 = arith.constant 0 : i32
      %dma_wait3A_331 = tpu.memref_slice %arg2[%dma_wait3A_330, %mul3A_2] : memref<200x4096xi32, #tpu.memory_space<hbm>> -> memref<200x128xi32, #tpu.memory_space<hbm>>
      tpu.wait_dma2 semaphore(%run_scoped3A : memref<!tpu.dma_semaphore, #tpu.memory_space<semaphore_mem>>) src(%dma_wait3A_331 : memref<200x128xi32, #tpu.memory_space<hbm>>) dst(%arg5 : memref<200x128xi32, #tpu.memory_space<vmem>>)
      tpu.yield
    }) : () -> ()
    %dma_wait3A = tpu.memref_slice %arg8[%mul3A_6] : memref<1015808xf32, #tpu.memory_space<vmem_shared>> -> memref<63488xf32, #tpu.memory_space<vmem_shared>>
    %dma_wait3A_8 = tpu.memref_slice %arg3[%mul3A_4] : memref<1015808xf32, #tpu.memory_space<hbm>> -> memref<63488xf32, #tpu.memory_space<hbm>>
    tpu.wait_dma2 semaphore(%arg10 : memref<!tpu.dma_semaphore, #tpu.memory_space<semaphore_mem>>) src(%dma_wait3A_8 : memref<63488xf32, #tpu.memory_space<hbm>>) dst(%dma_wait3A : memref<63488xf32, #tpu.memory_space<vmem_shared>>)
    %barrier3A = arith.constant 0 : index
    tpu.barrier barrier_id(%barrier3A)
    %dma_start3A_9 = arith.constant 0 : i32
    %dma_start3A_10 = arith.constant 0 : i32
    %dma_start3A_11 = arith.constant 0 : i32
    %dma_start3A_12 = tpu.memref_slice %arg6[%dma_start3A_10, %dma_start3A_11] : memref<200x128xf32, #tpu.memory_space<vmem>> -> memref<1x128xf32, #tpu.memory_space<vmem>>
    %dma_start3A_13 = tpu.memref_squeeze %dma_start3A_12 : memref<1x128xf32, #tpu.memory_space<vmem>> -> memref<128xf32, #tpu.memory_space<vmem>>
    %dma_start3A_14 = arith.constant 0 : i32
    %dma_start3A_15 = tpu.memref_slice %arg5[%dma_start3A_9, %dma_start3A_14] : memref<200x128xi32, #tpu.memory_space<vmem>> -> memref<1x128xi32, #tpu.memory_space<vmem>>
    %dma_start3A_16 = tpu.memref_squeeze %dma_start3A_15 : memref<1x128xi32, #tpu.memory_space<vmem>> -> memref<128xi32, #tpu.memory_space<vmem>>
    %dma_start3A_17 = arith.constant 0 : i32
    %dma_start3A_18 = tpu.memref_slice %arg8[%dma_start3A_17] : memref<1015808xf32, #tpu.memory_space<vmem_shared>> -> memref<1015808xf32, #tpu.memory_space<vmem_shared>>
    tpu.enqueue_indirect_dma source(%dma_start3A_18 : memref<1015808xf32, #tpu.memory_space<vmem_shared>>) target(%dma_start3A_13 : memref<128xf32, #tpu.memory_space<vmem>>) offsets(%dma_start3A_16 : memref<128xi32, #tpu.memory_space<vmem>>) semaphore(%arg9 : memref<!tpu.dma_semaphore, #tpu.memory_space<semaphore_mem>>)
    %dma_start3A_19 = arith.constant 1 : i32
    %dma_start3A_20 = arith.constant 1 : i32
    %dma_start3A_21 = arith.constant 0 : i32
    %dma_start3A_22 = tpu.memref_slice %arg6[%dma_start3A_20, %dma_start3A_21] : memref<200x128xf32, #tpu.memory_space<vmem>> -> memref<1x128xf32, #tpu.memory_space<vmem>>
    %dma_start3A_23 = tpu.memref_squeeze %dma_start3A_22 : memref<1x128xf32, #tpu.memory_space<vmem>> -> memref<128xf32, #tpu.memory_space<vmem>>
    %dma_start3A_24 = arith.constant 0 : i32
    %dma_start3A_25 = tpu.memref_slice %arg5[%dma_start3A_19, %dma_start3A_24] : memref<200x128xi32, #tpu.memory_space<vmem>> -> memref<1x128xi32, #tpu.memory_space<vmem>>
    %dma_start3A_26 = tpu.memref_squeeze %dma_start3A_25 : memref<1x128xi32, #tpu.memory_space<vmem>> -> memref<128xi32, #tpu.memory_space<vmem>>
    %dma_start3A_27 = arith.constant 0 : i32
    %dma_start3A_28 = tpu.memref_slice %arg8[%dma_start3A_27] : memref<1015808xf32, #tpu.memory_space<vmem_shared>> -> memref<1015808xf32, #tpu.memory_space<vmem_shared>>
    tpu.enqueue_indirect_dma source(%dma_start3A_28 : memref<1015808xf32, #tpu.memory_space<vmem_shared>>) target(%dma_start3A_23 : memref<128xf32, #tpu.memory_space<vmem>>) offsets(%dma_start3A_26 : memref<128xi32, #tpu.memory_space<vmem>>) semaphore(%arg9 : memref<!tpu.dma_semaphore, #tpu.memory_space<semaphore_mem>>)
    %dma_start3A_29 = arith.constant 2 : i32
    %dma_start3A_30 = arith.constant 2 : i32
    %dma_start3A_31 = arith.constant 0 : i32
    %dma_start3A_32 = tpu.memref_slice %arg6[%dma_start3A_30, %dma_start3A_31] : memref<200x128xf32, #tpu.memory_space<vmem>> -> memref<1x128xf32, #tpu.memory_space<vmem>>
    %dma_start3A_33 = tpu.memref_squeeze %dma_start3A_32 : memref<1x128xf32, #tpu.memory_space<vmem>> -> memref<128xf32, #tpu.memory_space<vmem>>
    %dma_start3A_34 = arith.constant 0 : i32
    %dma_start3A_35 = tpu.memref_slice %arg5[%dma_start3A_29, %dma_start3A_34] : memref<200x128xi32, #tpu.memory_space<vmem>> -> memref<1x128xi32, #tpu.memory_space<vmem>>
    %dma_start3A_36 = tpu.memref_squeeze %dma_start3A_35 : memref<1x128xi32, #tpu.memory_space<vmem>> -> memref<128xi32, #tpu.memory_space<vmem>>
    %dma_start3A_37 = arith.constant 0 : i32
    %dma_start3A_38 = tpu.memref_slice %arg8[%dma_start3A_37] : memref<1015808xf32, #tpu.memory_space<vmem_shared>> -> memref<1015808xf32, #tpu.memory_space<vmem_shared>>
    tpu.enqueue_indirect_dma source(%dma_start3A_38 : memref<1015808xf32, #tpu.memory_space<vmem_shared>>) target(%dma_start3A_33 : memref<128xf32, #tpu.memory_space<vmem>>) offsets(%dma_start3A_36 : memref<128xi32, #tpu.memory_space<vmem>>) semaphore(%arg9 : memref<!tpu.dma_semaphore, #tpu.memory_space<semaphore_mem>>)
    %dma_start3A_39 = arith.constant 3 : i32
    %dma_start3A_40 = arith.constant 3 : i32
    %dma_start3A_41 = arith.constant 0 : i32
    %dma_start3A_42 = tpu.memref_slice %arg6[%dma_start3A_40, %dma_start3A_41] : memref<200x128xf32, #tpu.memory_space<vmem>> -> memref<1x128xf32, #tpu.memory_space<vmem>>
    %dma_start3A_43 = tpu.memref_squeeze %dma_start3A_42 : memref<1x128xf32, #tpu.memory_space<vmem>> -> memref<128xf32, #tpu.memory_space<vmem>>
    %dma_start3A_44 = arith.constant 0 : i32
    %dma_start3A_45 = tpu.memref_slice %arg5[%dma_start3A_39, %dma_start3A_44] : memref<200x128xi32, #tpu.memory_space<vmem>> -> memref<1x128xi32, #tpu.memory_space<vmem>>
    %dma_start3A_46 = tpu.memref_squeeze %dma_start3A_45 : memref<1x128xi32, #tpu.memory_space<vmem>> -> memref<128xi32, #tpu.memory_space<vmem>>
    %dma_start3A_47 = arith.constant 0 : i32
    %dma_start3A_48 = tpu.memref_slice %arg8[%dma_start3A_47] : memref<1015808xf32, #tpu.memory_space<vmem_shared>> -> memref<1015808xf32, #tpu.memory_space<vmem_shared>>
    tpu.enqueue_indirect_dma source(%dma_start3A_48 : memref<1015808xf32, #tpu.memory_space<vmem_shared>>) target(%dma_start3A_43 : memref<128xf32, #tpu.memory_space<vmem>>) offsets(%dma_start3A_46 : memref<128xi32, #tpu.memory_space<vmem>>) semaphore(%arg9 : memref<!tpu.dma_semaphore, #tpu.memory_space<semaphore_mem>>)
    %dma_start3A_49 = arith.constant 4 : i32
    %dma_start3A_50 = arith.constant 4 : i32
    %dma_start3A_51 = arith.constant 0 : i32
    %dma_start3A_52 = tpu.memref_slice %arg6[%dma_start3A_50, %dma_start3A_51] : memref<200x128xf32, #tpu.memory_space<vmem>> -> memref<1x128xf32, #tpu.memory_space<vmem>>
    %dma_start3A_53 = tpu.memref_squeeze %dma_start3A_52 : memref<1x128xf32, #tpu.memory_space<vmem>> -> memref<128xf32, #tpu.memory_space<vmem>>
    %dma_start3A_54 = arith.constant 0 : i32
    %dma_start3A_55 = tpu.memref_slice %arg5[%dma_start3A_49, %dma_start3A_54] : memref<200x128xi32, #tpu.memory_space<vmem>> -> memref<1x128xi32, #tpu.memory_space<vmem>>
    %dma_start3A_56 = tpu.memref_squeeze %dma_start3A_55 : memref<1x128xi32, #tpu.memory_space<vmem>> -> memref<128xi32, #tpu.memory_space<vmem>>
    %dma_start3A_57 = arith.constant 0 : i32
    %dma_start3A_58 = tpu.memref_slice %arg8[%dma_start3A_57] : memref<1015808xf32, #tpu.memory_space<vmem_shared>> -> memref<1015808xf32, #tpu.memory_space<vmem_shared>>
    tpu.enqueue_indirect_dma source(%dma_start3A_58 : memref<1015808xf32, #tpu.memory_space<vmem_shared>>) target(%dma_start3A_53 : memref<128xf32, #tpu.memory_space<vmem>>) offsets(%dma_start3A_56 : memref<128xi32, #tpu.memory_space<vmem>>) semaphore(%arg9 : memref<!tpu.dma_semaphore, #tpu.memory_space<semaphore_mem>>)
    %dma_start3A_59 = arith.constant 5 : i32
    %dma_start3A_60 = arith.constant 5 : i32
    %dma_start3A_61 = arith.constant 0 : i32
    %dma_start3A_62 = tpu.memref_slice %arg6[%dma_start3A_60, %dma_start3A_61] : memref<200x128xf32, #tpu.memory_space<vmem>> -> memref<1x128xf32, #tpu.memory_space<vmem>>
    %dma_start3A_63 = tpu.memref_squeeze %dma_start3A_62 : memref<1x128xf32, #tpu.memory_space<vmem>> -> memref<128xf32, #tpu.memory_space<vmem>>
    %dma_start3A_64 = arith.constant 0 : i32
    %dma_start3A_65 = tpu.memref_slice %arg5[%dma_start3A_59, %dma_start3A_64] : memref<200x128xi32, #tpu.memory_space<vmem>> -> memref<1x128xi32, #tpu.memory_space<vmem>>
    %dma_start3A_66 = tpu.memref_squeeze %dma_start3A_65 : memref<1x128xi32, #tpu.memory_space<vmem>> -> memref<128xi32, #tpu.memory_space<vmem>>
    %dma_start3A_67 = arith.constant 0 : i32
    %dma_start3A_68 = tpu.memref_slice %arg8[%dma_start3A_67] : memref<1015808xf32, #tpu.memory_space<vmem_shared>> -> memref<1015808xf32, #tpu.memory_space<vmem_shared>>
    tpu.enqueue_indirect_dma source(%dma_start3A_68 : memref<1015808xf32, #tpu.memory_space<vmem_shared>>) target(%dma_start3A_63 : memref<128xf32, #tpu.memory_space<vmem>>) offsets(%dma_start3A_66 : memref<128xi32, #tpu.memory_space<vmem>>) semaphore(%arg9 : memref<!tpu.dma_semaphore, #tpu.memory_space<semaphore_mem>>)
    %dma_start3A_69 = arith.constant 6 : i32
    %dma_start3A_70 = arith.constant 6 : i32
    %dma_start3A_71 = arith.constant 0 : i32
    %dma_start3A_72 = tpu.memref_slice %arg6[%dma_start3A_70, %dma_start3A_71] : memref<200x128xf32, #tpu.memory_space<vmem>> -> memref<1x128xf32, #tpu.memory_space<vmem>>
    %dma_start3A_73 = tpu.memref_squeeze %dma_start3A_72 : memref<1x128xf32, #tpu.memory_space<vmem>> -> memref<128xf32, #tpu.memory_space<vmem>>
    %dma_start3A_74 = arith.constant 0 : i32
    %dma_start3A_75 = tpu.memref_slice %arg5[%dma_start3A_69, %dma_start3A_74] : memref<200x128xi32, #tpu.memory_space<vmem>> -> memref<1x128xi32, #tpu.memory_space<vmem>>
    %dma_start3A_76 = tpu.memref_squeeze %dma_start3A_75 : memref<1x128xi32, #tpu.memory_space<vmem>> -> memref<128xi32, #tpu.memory_space<vmem>>
    %dma_start3A_77 = arith.constant 0 : i32
    %dma_start3A_78 = tpu.memref_slice %arg8[%dma_start3A_77] : memref<1015808xf32, #tpu.memory_space<vmem_shared>> -> memref<1015808xf32, #tpu.memory_space<vmem_shared>>
    tpu.enqueue_indirect_dma source(%dma_start3A_78 : memref<1015808xf32, #tpu.memory_space<vmem_shared>>) target(%dma_start3A_73 : memref<128xf32, #tpu.memory_space<vmem>>) offsets(%dma_start3A_76 : memref<128xi32, #tpu.memory_space<vmem>>) semaphore(%arg9 : memref<!tpu.dma_semaphore, #tpu.memory_space<semaphore_mem>>)
    %dma_start3A_79 = arith.constant 7 : i32
    %dma_start3A_80 = arith.constant 7 : i32
    %dma_start3A_81 = arith.constant 0 : i32
    %dma_start3A_82 = tpu.memref_slice %arg6[%dma_start3A_80, %dma_start3A_81] : memref<200x128xf32, #tpu.memory_space<vmem>> -> memref<1x128xf32, #tpu.memory_space<vmem>>
    %dma_start3A_83 = tpu.memref_squeeze %dma_start3A_82 : memref<1x128xf32, #tpu.memory_space<vmem>> -> memref<128xf32, #tpu.memory_space<vmem>>
    %dma_start3A_84 = arith.constant 0 : i32
    %dma_start3A_85 = tpu.memref_slice %arg5[%dma_start3A_79, %dma_start3A_84] : memref<200x128xi32, #tpu.memory_space<vmem>> -> memref<1x128xi32, #tpu.memory_space<vmem>>
    %dma_start3A_86 = tpu.memref_squeeze %dma_start3A_85 : memref<1x128xi32, #tpu.memory_space<vmem>> -> memref<128xi32, #tpu.memory_space<vmem>>
    %dma_start3A_87 = arith.constant 0 : i32
    %dma_start3A_88 = tpu.memref_slice %arg8[%dma_start3A_87] : memref<1015808xf32, #tpu.memory_space<vmem_shared>> -> memref<1015808xf32, #tpu.memory_space<vmem_shared>>
    tpu.enqueue_indirect_dma source(%dma_start3A_88 : memref<1015808xf32, #tpu.memory_space<vmem_shared>>) target(%dma_start3A_83 : memref<128xf32, #tpu.memory_space<vmem>>) offsets(%dma_start3A_86 : memref<128xi32, #tpu.memory_space<vmem>>) semaphore(%arg9 : memref<!tpu.dma_semaphore, #tpu.memory_space<semaphore_mem>>)
    %dma_start3A_89 = arith.constant 8 : i32
    %dma_start3A_90 = arith.constant 8 : i32
    %dma_start3A_91 = arith.constant 0 : i32
    %dma_start3A_92 = tpu.memref_slice %arg6[%dma_start3A_90, %dma_start3A_91] : memref<200x128xf32, #tpu.memory_space<vmem>> -> memref<1x128xf32, #tpu.memory_space<vmem>>
    %dma_start3A_93 = tpu.memref_squeeze %dma_start3A_92 : memref<1x128xf32, #tpu.memory_space<vmem>> -> memref<128xf32, #tpu.memory_space<vmem>>
    %dma_start3A_94 = arith.constant 0 : i32
    %dma_start3A_95 = tpu.memref_slice %arg5[%dma_start3A_89, %dma_start3A_94] : memref<200x128xi32, #tpu.memory_space<vmem>> -> memref<1x128xi32, #tpu.memory_space<vmem>>
    %dma_start3A_96 = tpu.memref_squeeze %dma_start3A_95 : memref<1x128xi32, #tpu.memory_space<vmem>> -> memref<128xi32, #tpu.memory_space<vmem>>
    %dma_start3A_97 = arith.constant 0 : i32
    %dma_start3A_98 = tpu.memref_slice %arg8[%dma_start3A_97] : memref<1015808xf32, #tpu.memory_space<vmem_shared>> -> memref<1015808xf32, #tpu.memory_space<vmem_shared>>
    tpu.enqueue_indirect_dma source(%dma_start3A_98 : memref<1015808xf32, #tpu.memory_space<vmem_shared>>) target(%dma_start3A_93 : memref<128xf32, #tpu.memory_space<vmem>>) offsets(%dma_start3A_96 : memref<128xi32, #tpu.memory_space<vmem>>) semaphore(%arg9 : memref<!tpu.dma_semaphore, #tpu.memory_space<semaphore_mem>>)
    %dma_start3A_99 = arith.constant 9 : i32
    %dma_start3A_100 = arith.constant 9 : i32
    %dma_start3A_101 = arith.constant 0 : i32
    %dma_start3A_102 = tpu.memref_slice %arg6[%dma_start3A_100, %dma_start3A_101] : memref<200x128xf32, #tpu.memory_space<vmem>> -> memref<1x128xf32, #tpu.memory_space<vmem>>
    %dma_start3A_103 = tpu.memref_squeeze %dma_start3A_102 : memref<1x128xf32, #tpu.memory_space<vmem>> -> memref<128xf32, #tpu.memory_space<vmem>>
    %dma_start3A_104 = arith.constant 0 : i32
    %dma_start3A_105 = tpu.memref_slice %arg5[%dma_start3A_99, %dma_start3A_104] : memref<200x128xi32, #tpu.memory_space<vmem>> -> memref<1x128xi32, #tpu.memory_space<vmem>>
    %dma_start3A_106 = tpu.memref_squeeze %dma_start3A_105 : memref<1x128xi32, #tpu.memory_space<vmem>> -> memref<128xi32, #tpu.memory_space<vmem>>
    %dma_start3A_107 = arith.constant 0 : i32
    %dma_start3A_108 = tpu.memref_slice %arg8[%dma_start3A_107] : memref<1015808xf32, #tpu.memory_space<vmem_shared>> -> memref<1015808xf32, #tpu.memory_space<vmem_shared>>
    tpu.enqueue_indirect_dma source(%dma_start3A_108 : memref<1015808xf32, #tpu.memory_space<vmem_shared>>) target(%dma_start3A_103 : memref<128xf32, #tpu.memory_space<vmem>>) offsets(%dma_start3A_106 : memref<128xi32, #tpu.memory_space<vmem>>) semaphore(%arg9 : memref<!tpu.dma_semaphore, #tpu.memory_space<semaphore_mem>>)
    %dma_start3A_109 = arith.constant 10 : i32
    %dma_start3A_110 = arith.constant 10 : i32
    %dma_start3A_111 = arith.constant 0 : i32
    %dma_start3A_112 = tpu.memref_slice %arg6[%dma_start3A_110, %dma_start3A_111] : memref<200x128xf32, #tpu.memory_space<vmem>> -> memref<1x128xf32, #tpu.memory_space<vmem>>
    %dma_start3A_113 = tpu.memref_squeeze %dma_start3A_112 : memref<1x128xf32, #tpu.memory_space<vmem>> -> memref<128xf32, #tpu.memory_space<vmem>>
    %dma_start3A_114 = arith.constant 0 : i32
    %dma_start3A_115 = tpu.memref_slice %arg5[%dma_start3A_109, %dma_start3A_114] : memref<200x128xi32, #tpu.memory_space<vmem>> -> memref<1x128xi32, #tpu.memory_space<vmem>>
    %dma_start3A_116 = tpu.memref_squeeze %dma_start3A_115 : memref<1x128xi32, #tpu.memory_space<vmem>> -> memref<128xi32, #tpu.memory_space<vmem>>
    %dma_start3A_117 = arith.constant 0 : i32
    %dma_start3A_118 = tpu.memref_slice %arg8[%dma_start3A_117] : memref<1015808xf32, #tpu.memory_space<vmem_shared>> -> memref<1015808xf32, #tpu.memory_space<vmem_shared>>
    tpu.enqueue_indirect_dma source(%dma_start3A_118 : memref<1015808xf32, #tpu.memory_space<vmem_shared>>) target(%dma_start3A_113 : memref<128xf32, #tpu.memory_space<vmem>>) offsets(%dma_start3A_116 : memref<128xi32, #tpu.memory_space<vmem>>) semaphore(%arg9 : memref<!tpu.dma_semaphore, #tpu.memory_space<semaphore_mem>>)
    %dma_start3A_119 = arith.constant 11 : i32
    %dma_start3A_120 = arith.constant 11 : i32
    %dma_start3A_121 = arith.constant 0 : i32
    %dma_start3A_122 = tpu.memref_slice %arg6[%dma_start3A_120, %dma_start3A_121] : memref<200x128xf32, #tpu.memory_space<vmem>> -> memref<1x128xf32, #tpu.memory_space<vmem>>
    %dma_start3A_123 = tpu.memref_squeeze %dma_start3A_122 : memref<1x128xf32, #tpu.memory_space<vmem>> -> memref<128xf32, #tpu.memory_space<vmem>>
    %dma_start3A_124 = arith.constant 0 : i32
    %dma_start3A_125 = tpu.memref_slice %arg5[%dma_start3A_119, %dma_start3A_124] : memref<200x128xi32, #tpu.memory_space<vmem>> -> memref<1x128xi32, #tpu.memory_space<vmem>>
    %dma_start3A_126 = tpu.memref_squeeze %dma_start3A_125 : memref<1x128xi32, #tpu.memory_space<vmem>> -> memref<128xi32, #tpu.memory_space<vmem>>
    %dma_start3A_127 = arith.constant 0 : i32
    %dma_start3A_128 = tpu.memref_slice %arg8[%dma_start3A_127] : memref<1015808xf32, #tpu.memory_space<vmem_shared>> -> memref<1015808xf32, #tpu.memory_space<vmem_shared>>
    tpu.enqueue_indirect_dma source(%dma_start3A_128 : memref<1015808xf32, #tpu.memory_space<vmem_shared>>) target(%dma_start3A_123 : memref<128xf32, #tpu.memory_space<vmem>>) offsets(%dma_start3A_126 : memref<128xi32, #tpu.memory_space<vmem>>) semaphore(%arg9 : memref<!tpu.dma_semaphore, #tpu.memory_space<semaphore_mem>>)
    %dma_start3A_129 = arith.constant 12 : i32
    %dma_start3A_130 = arith.constant 12 : i32
    %dma_start3A_131 = arith.constant 0 : i32
    %dma_start3A_132 = tpu.memref_slice %arg6[%dma_start3A_130, %dma_start3A_131] : memref<200x128xf32, #tpu.memory_space<vmem>> -> memref<1x128xf32, #tpu.memory_space<vmem>>
    %dma_start3A_133 = tpu.memref_squeeze %dma_start3A_132 : memref<1x128xf32, #tpu.memory_space<vmem>> -> memref<128xf32, #tpu.memory_space<vmem>>
    %dma_start3A_134 = arith.constant 0 : i32
    %dma_start3A_135 = tpu.memref_slice %arg5[%dma_start3A_129, %dma_start3A_134] : memref<200x128xi32, #tpu.memory_space<vmem>> -> memref<1x128xi32, #tpu.memory_space<vmem>>
    %dma_start3A_136 = tpu.memref_squeeze %dma_start3A_135 : memref<1x128xi32, #tpu.memory_space<vmem>> -> memref<128xi32, #tpu.memory_space<vmem>>
    %dma_start3A_137 = arith.constant 0 : i32
    %dma_start3A_138 = tpu.memref_slice %arg8[%dma_start3A_137] : memref<1015808xf32, #tpu.memory_space<vmem_shared>> -> memref<1015808xf32, #tpu.memory_space<vmem_shared>>
    tpu.enqueue_indirect_dma source(%dma_start3A_138 : memref<1015808xf32, #tpu.memory_space<vmem_shared>>) target(%dma_start3A_133 : memref<128xf32, #tpu.memory_space<vmem>>) offsets(%dma_start3A_136 : memref<128xi32, #tpu.memory_space<vmem>>) semaphore(%arg9 : memref<!tpu.dma_semaphore, #tpu.memory_space<semaphore_mem>>)
    %dma_start3A_139 = arith.constant 13 : i32
    %dma_start3A_140 = arith.constant 13 : i32
    %dma_start3A_141 = arith.constant 0 : i32
    %dma_start3A_142 = tpu.memref_slice %arg6[%dma_start3A_140, %dma_start3A_141] : memref<200x128xf32, #tpu.memory_space<vmem>> -> memref<1x128xf32, #tpu.memory_space<vmem>>
    %dma_start3A_143 = tpu.memref_squeeze %dma_start3A_142 : memref<1x128xf32, #tpu.memory_space<vmem>> -> memref<128xf32, #tpu.memory_space<vmem>>
    %dma_start3A_144 = arith.constant 0 : i32
    %dma_start3A_145 = tpu.memref_slice %arg5[%dma_start3A_139, %dma_start3A_144] : memref<200x128xi32, #tpu.memory_space<vmem>> -> memref<1x128xi32, #tpu.memory_space<vmem>>
    %dma_start3A_146 = tpu.memref_squeeze %dma_start3A_145 : memref<1x128xi32, #tpu.memory_space<vmem>> -> memref<128xi32, #tpu.memory_space<vmem>>
    %dma_start3A_147 = arith.constant 0 : i32
    %dma_start3A_148 = tpu.memref_slice %arg8[%dma_start3A_147] : memref<1015808xf32, #tpu.memory_space<vmem_shared>> -> memref<1015808xf32, #tpu.memory_space<vmem_shared>>
    tpu.enqueue_indirect_dma source(%dma_start3A_148 : memref<1015808xf32, #tpu.memory_space<vmem_shared>>) target(%dma_start3A_143 : memref<128xf32, #tpu.memory_space<vmem>>) offsets(%dma_start3A_146 : memref<128xi32, #tpu.memory_space<vmem>>) semaphore(%arg9 : memref<!tpu.dma_semaphore, #tpu.memory_space<semaphore_mem>>)
    %dma_start3A_149 = arith.constant 14 : i32
    %dma_start3A_150 = arith.constant 14 : i32
    %dma_start3A_151 = arith.constant 0 : i32
    %dma_start3A_152 = tpu.memref_slice %arg6[%dma_start3A_150, %dma_start3A_151] : memref<200x128xf32, #tpu.memory_space<vmem>> -> memref<1x128xf32, #tpu.memory_space<vmem>>
    %dma_start3A_153 = tpu.memref_squeeze %dma_start3A_152 : memref<1x128xf32, #tpu.memory_space<vmem>> -> memref<128xf32, #tpu.memory_space<vmem>>
    %dma_start3A_154 = arith.constant 0 : i32
    %dma_start3A_155 = tpu.memref_slice %arg5[%dma_start3A_149, %dma_start3A_154] : memref<200x128xi32, #tpu.memory_space<vmem>> -> memref<1x128xi32, #tpu.memory_space<vmem>>
    %dma_start3A_156 = tpu.memref_squeeze %dma_start3A_155 : memref<1x128xi32, #tpu.memory_space<vmem>> -> memref<128xi32, #tpu.memory_space<vmem>>
    %dma_start3A_157 = arith.constant 0 : i32
    %dma_start3A_158 = tpu.memref_slice %arg8[%dma_start3A_157] : memref<1015808xf32, #tpu.memory_space<vmem_shared>> -> memref<1015808xf32, #tpu.memory_space<vmem_shared>>
    tpu.enqueue_indirect_dma source(%dma_start3A_158 : memref<1015808xf32, #tpu.memory_space<vmem_shared>>) target(%dma_start3A_153 : memref<128xf32, #tpu.memory_space<vmem>>) offsets(%dma_start3A_156 : memref<128xi32, #tpu.memory_space<vmem>>) semaphore(%arg9 : memref<!tpu.dma_semaphore, #tpu.memory_space<semaphore_mem>>)
    %dma_start3A_159 = arith.constant 15 : i32
    %dma_start3A_160 = arith.constant 15 : i32
    %dma_start3A_161 = arith.constant 0 : i32
    %dma_start3A_162 = tpu.memref_slice %arg6[%dma_start3A_160, %dma_start3A_161] : memref<200x128xf32, #tpu.memory_space<vmem>> -> memref<1x128xf32, #tpu.memory_space<vmem>>
    %dma_start3A_163 = tpu.memref_squeeze %dma_start3A_162 : memref<1x128xf32, #tpu.memory_space<vmem>> -> memref<128xf32, #tpu.memory_space<vmem>>
    %dma_start3A_164 = arith.constant 0 : i32
    %dma_start3A_165 = tpu.memref_slice %arg5[%dma_start3A_159, %dma_start3A_164] : memref<200x128xi32, #tpu.memory_space<vmem>> -> memref<1x128xi32, #tpu.memory_space<vmem>>
    %dma_start3A_166 = tpu.memref_squeeze %dma_start3A_165 : memref<1x128xi32, #tpu.memory_space<vmem>> -> memref<128xi32, #tpu.memory_space<vmem>>
    %dma_start3A_167 = arith.constant 0 : i32
    %dma_start3A_168 = tpu.memref_slice %arg8[%dma_start3A_167] : memref<1015808xf32, #tpu.memory_space<vmem_shared>> -> memref<1015808xf32, #tpu.memory_space<vmem_shared>>
    tpu.enqueue_indirect_dma source(%dma_start3A_168 : memref<1015808xf32, #tpu.memory_space<vmem_shared>>) target(%dma_start3A_163 : memref<128xf32, #tpu.memory_space<vmem>>) offsets(%dma_start3A_166 : memref<128xi32, #tpu.memory_space<vmem>>) semaphore(%arg9 : memref<!tpu.dma_semaphore, #tpu.memory_space<semaphore_mem>>)
    %dma_start3A_169 = arith.constant 16 : i32
    %dma_start3A_170 = arith.constant 16 : i32
    %dma_start3A_171 = arith.constant 0 : i32
    %dma_start3A_172 = tpu.memref_slice %arg6[%dma_start3A_170, %dma_start3A_171] : memref<200x128xf32, #tpu.memory_space<vmem>> -> memref<1x128xf32, #tpu.memory_space<vmem>>
    %dma_start3A_173 = tpu.memref_squeeze %dma_start3A_172 : memref<1x128xf32, #tpu.memory_space<vmem>> -> memref<128xf32, #tpu.memory_space<vmem>>
    %dma_start3A_174 = arith.constant 0 : i32
    %dma_start3A_175 = tpu.memref_slice %arg5[%dma_start3A_169, %dma_start3A_174] : memref<200x128xi32, #tpu.memory_space<vmem>> -> memref<1x128xi32, #tpu.memory_space<vmem>>
    %dma_start3A_176 = tpu.memref_squeeze %dma_start3A_175 : memref<1x128xi32, #tpu.memory_space<vmem>> -> memref<128xi32, #tpu.memory_space<vmem>>
    %dma_start3A_177 = arith.constant 0 : i32
    %dma_start3A_178 = tpu.memref_slice %arg8[%dma_start3A_177] : memref<1015808xf32, #tpu.memory_space<vmem_shared>> -> memref<1015808xf32, #tpu.memory_space<vmem_shared>>
    tpu.enqueue_indirect_dma source(%dma_start3A_178 : memref<1015808xf32, #tpu.memory_space<vmem_shared>>) target(%dma_start3A_173 : memref<128xf32, #tpu.memory_space<vmem>>) offsets(%dma_start3A_176 : memref<128xi32, #tpu.memory_space<vmem>>) semaphore(%arg9 : memref<!tpu.dma_semaphore, #tpu.memory_space<semaphore_mem>>)
    %dma_start3A_179 = arith.constant 17 : i32
    %dma_start3A_180 = arith.constant 17 : i32
    %dma_start3A_181 = arith.constant 0 : i32
    %dma_start3A_182 = tpu.memref_slice %arg6[%dma_start3A_180, %dma_start3A_181] : memref<200x128xf32, #tpu.memory_space<vmem>> -> memref<1x128xf32, #tpu.memory_space<vmem>>
    %dma_start3A_183 = tpu.memref_squeeze %dma_start3A_182 : memref<1x128xf32, #tpu.memory_space<vmem>> -> memref<128xf32, #tpu.memory_space<vmem>>
    %dma_start3A_184 = arith.constant 0 : i32
    %dma_start3A_185 = tpu.memref_slice %arg5[%dma_start3A_179, %dma_start3A_184] : memref<200x128xi32, #tpu.memory_space<vmem>> -> memref<1x128xi32, #tpu.memory_space<vmem>>
    %dma_start3A_186 = tpu.memref_squeeze %dma_start3A_185 : memref<1x128xi32, #tpu.memory_space<vmem>> -> memref<128xi32, #tpu.memory_space<vmem>>
    %dma_start3A_187 = arith.constant 0 : i32
    %dma_start3A_188 = tpu.memref_slice %arg8[%dma_start3A_187] : memref<1015808xf32, #tpu.memory_space<vmem_shared>> -> memref<1015808xf32, #tpu.memory_space<vmem_shared>>
    tpu.enqueue_indirect_dma source(%dma_start3A_188 : memref<1015808xf32, #tpu.memory_space<vmem_shared>>) target(%dma_start3A_183 : memref<128xf32, #tpu.memory_space<vmem>>) offsets(%dma_start3A_186 : memref<128xi32, #tpu.memory_space<vmem>>) semaphore(%arg9 : memref<!tpu.dma_semaphore, #tpu.memory_space<semaphore_mem>>)
    %dma_start3A_189 = arith.constant 18 : i32
    %dma_start3A_190 = arith.constant 18 : i32
    %dma_start3A_191 = arith.constant 0 : i32
    %dma_start3A_192 = tpu.memref_slice %arg6[%dma_start3A_190, %dma_start3A_191] : memref<200x128xf32, #tpu.memory_space<vmem>> -> memref<1x128xf32, #tpu.memory_space<vmem>>
    %dma_start3A_193 = tpu.memref_squeeze %dma_start3A_192 : memref<1x128xf32, #tpu.memory_space<vmem>> -> memref<128xf32, #tpu.memory_space<vmem>>
    %dma_start3A_194 = arith.constant 0 : i32
    %dma_start3A_195 = tpu.memref_slice %arg5[%dma_start3A_189, %dma_start3A_194] : memref<200x128xi32, #tpu.memory_space<vmem>> -> memref<1x128xi32, #tpu.memory_space<vmem>>
    %dma_start3A_196 = tpu.memref_squeeze %dma_start3A_195 : memref<1x128xi32, #tpu.memory_space<vmem>> -> memref<128xi32, #tpu.memory_space<vmem>>
    %dma_start3A_197 = arith.constant 0 : i32
    %dma_start3A_198 = tpu.memref_slice %arg8[%dma_start3A_197] : memref<1015808xf32, #tpu.memory_space<vmem_shared>> -> memref<1015808xf32, #tpu.memory_space<vmem_shared>>
    tpu.enqueue_indirect_dma source(%dma_start3A_198 : memref<1015808xf32, #tpu.memory_space<vmem_shared>>) target(%dma_start3A_193 : memref<128xf32, #tpu.memory_space<vmem>>) offsets(%dma_start3A_196 : memref<128xi32, #tpu.memory_space<vmem>>) semaphore(%arg9 : memref<!tpu.dma_semaphore, #tpu.memory_space<semaphore_mem>>)
    %dma_start3A_199 = arith.constant 19 : i32
    %dma_start3A_200 = arith.constant 19 : i32
    %dma_start3A_201 = arith.constant 0 : i32
    %dma_start3A_202 = tpu.memref_slice %arg6[%dma_start3A_200, %dma_start3A_201] : memref<200x128xf32, #tpu.memory_space<vmem>> -> memref<1x128xf32, #tpu.memory_space<vmem>>
    %dma_start3A_203 = tpu.memref_squeeze %dma_start3A_202 : memref<1x128xf32, #tpu.memory_space<vmem>> -> memref<128xf32, #tpu.memory_space<vmem>>
    %dma_start3A_204 = arith.constant 0 : i32
    %dma_start3A_205 = tpu.memref_slice %arg5[%dma_start3A_199, %dma_start3A_204] : memref<200x128xi32, #tpu.memory_space<vmem>> -> memref<1x128xi32, #tpu.memory_space<vmem>>
    %dma_start3A_206 = tpu.memref_squeeze %dma_start3A_205 : memref<1x128xi32, #tpu.memory_space<vmem>> -> memref<128xi32, #tpu.memory_space<vmem>>
    %dma_start3A_207 = arith.constant 0 : i32
    %dma_start3A_208 = tpu.memref_slice %arg8[%dma_start3A_207] : memref<1015808xf32, #tpu.memory_space<vmem_shared>> -> memref<1015808xf32, #tpu.memory_space<vmem_shared>>
    tpu.enqueue_indirect_dma source(%dma_start3A_208 : memref<1015808xf32, #tpu.memory_space<vmem_shared>>) target(%dma_start3A_203 : memref<128xf32, #tpu.memory_space<vmem>>) offsets(%dma_start3A_206 : memref<128xi32, #tpu.memory_space<vmem>>) semaphore(%arg9 : memref<!tpu.dma_semaphore, #tpu.memory_space<semaphore_mem>>)
    %dma_start3A_209 = arith.constant 20 : i32
    %dma_start3A_210 = arith.constant 20 : i32
    %dma_start3A_211 = arith.constant 0 : i32
    %dma_start3A_212 = tpu.memref_slice %arg6[%dma_start3A_210, %dma_start3A_211] : memref<200x128xf32, #tpu.memory_space<vmem>> -> memref<1x128xf32, #tpu.memory_space<vmem>>
    %dma_start3A_213 = tpu.memref_squeeze %dma_start3A_212 : memref<1x128xf32, #tpu.memory_space<vmem>> -> memref<128xf32, #tpu.memory_space<vmem>>
    %dma_start3A_214 = arith.constant 0 : i32
    %dma_start3A_215 = tpu.memref_slice %arg5[%dma_start3A_209, %dma_start3A_214] : memref<200x128xi32, #tpu.memory_space<vmem>> -> memref<1x128xi32, #tpu.memory_space<vmem>>
    %dma_start3A_216 = tpu.memref_squeeze %dma_start3A_215 : memref<1x128xi32, #tpu.memory_space<vmem>> -> memref<128xi32, #tpu.memory_space<vmem>>
    %dma_start3A_217 = arith.constant 0 : i32
    %dma_start3A_218 = tpu.memref_slice %arg8[%dma_start3A_217] : memref<1015808xf32, #tpu.memory_space<vmem_shared>> -> memref<1015808xf32, #tpu.memory_space<vmem_shared>>
    tpu.enqueue_indirect_dma source(%dma_start3A_218 : memref<1015808xf32, #tpu.memory_space<vmem_shared>>) target(%dma_start3A_213 : memref<128xf32, #tpu.memory_space<vmem>>) offsets(%dma_start3A_216 : memref<128xi32, #tpu.memory_space<vmem>>) semaphore(%arg9 : memref<!tpu.dma_semaphore, #tpu.memory_space<semaphore_mem>>)
    %dma_start3A_219 = arith.constant 21 : i32
    %dma_start3A_220 = arith.constant 21 : i32
    %dma_start3A_221 = arith.constant 0 : i32
    %dma_start3A_222 = tpu.memref_slice %arg6[%dma_start3A_220, %dma_start3A_221] : memref<200x128xf32, #tpu.memory_space<vmem>> -> memref<1x128xf32, #tpu.memory_space<vmem>>
    %dma_start3A_223 = tpu.memref_squeeze %dma_start3A_222 : memref<1x128xf32, #tpu.memory_space<vmem>> -> memref<128xf32, #tpu.memory_space<vmem>>
    %dma_start3A_224 = arith.constant 0 : i32
    %dma_start3A_225 = tpu.memref_slice %arg5[%dma_start3A_219, %dma_start3A_224] : memref<200x128xi32, #tpu.memory_space<vmem>> -> memref<1x128xi32, #tpu.memory_space<vmem>>
    %dma_start3A_226 = tpu.memref_squeeze %dma_start3A_225 : memref<1x128xi32, #tpu.memory_space<vmem>> -> memref<128xi32, #tpu.memory_space<vmem>>
    %dma_start3A_227 = arith.constant 0 : i32
    %dma_start3A_228 = tpu.memref_slice %arg8[%dma_start3A_227] : memref<1015808xf32, #tpu.memory_space<vmem_shared>> -> memref<1015808xf32, #tpu.memory_space<vmem_shared>>
    tpu.enqueue_indirect_dma source(%dma_start3A_228 : memref<1015808xf32, #tpu.memory_space<vmem_shared>>) target(%dma_start3A_223 : memref<128xf32, #tpu.memory_space<vmem>>) offsets(%dma_start3A_226 : memref<128xi32, #tpu.memory_space<vmem>>) semaphore(%arg9 : memref<!tpu.dma_semaphore, #tpu.memory_space<semaphore_mem>>)
    %dma_start3A_229 = arith.constant 22 : i32
    %dma_start3A_230 = arith.constant 22 : i32
    %dma_start3A_231 = arith.constant 0 : i32
    %dma_start3A_232 = tpu.memref_slice %arg6[%dma_start3A_230, %dma_start3A_231] : memref<200x128xf32, #tpu.memory_space<vmem>> -> memref<1x128xf32, #tpu.memory_space<vmem>>
    %dma_start3A_233 = tpu.memref_squeeze %dma_start3A_232 : memref<1x128xf32, #tpu.memory_space<vmem>> -> memref<128xf32, #tpu.memory_space<vmem>>
    %dma_start3A_234 = arith.constant 0 : i32
    %dma_start3A_235 = tpu.memref_slice %arg5[%dma_start3A_229, %dma_start3A_234] : memref<200x128xi32, #tpu.memory_space<vmem>> -> memref<1x128xi32, #tpu.memory_space<vmem>>
    %dma_start3A_236 = tpu.memref_squeeze %dma_start3A_235 : memref<1x128xi32, #tpu.memory_space<vmem>> -> memref<128xi32, #tpu.memory_space<vmem>>
    %dma_start3A_237 = arith.constant 0 : i32
    %dma_start3A_238 = tpu.memref_slice %arg8[%dma_start3A_237] : memref<1015808xf32, #tpu.memory_space<vmem_shared>> -> memref<1015808xf32, #tpu.memory_space<vmem_shared>>
    tpu.enqueue_indirect_dma source(%dma_start3A_238 : memref<1015808xf32, #tpu.memory_space<vmem_shared>>) target(%dma_start3A_233 : memref<128xf32, #tpu.memory_space<vmem>>) offsets(%dma_start3A_236 : memref<128xi32, #tpu.memory_space<vmem>>) semaphore(%arg9 : memref<!tpu.dma_semaphore, #tpu.memory_space<semaphore_mem>>)
    %dma_start3A_239 = arith.constant 23 : i32
    %dma_start3A_240 = arith.constant 23 : i32
    %dma_start3A_241 = arith.constant 0 : i32
    %dma_start3A_242 = tpu.memref_slice %arg6[%dma_start3A_240, %dma_start3A_241] : memref<200x128xf32, #tpu.memory_space<vmem>> -> memref<1x128xf32, #tpu.memory_space<vmem>>
    %dma_start3A_243 = tpu.memref_squeeze %dma_start3A_242 : memref<1x128xf32, #tpu.memory_space<vmem>> -> memref<128xf32, #tpu.memory_space<vmem>>
    %dma_start3A_244 = arith.constant 0 : i32
    %dma_start3A_245 = tpu.memref_slice %arg5[%dma_start3A_239, %dma_start3A_244] : memref<200x128xi32, #tpu.memory_space<vmem>> -> memref<1x128xi32, #tpu.memory_space<vmem>>
    %dma_start3A_246 = tpu.memref_squeeze %dma_start3A_245 : memref<1x128xi32, #tpu.memory_space<vmem>> -> memref<128xi32, #tpu.memory_space<vmem>>
    %dma_start3A_247 = arith.constant 0 : i32
    %dma_start3A_248 = tpu.memref_slice %arg8[%dma_start3A_247] : memref<1015808xf32, #tpu.memory_space<vmem_shared>> -> memref<1015808xf32, #tpu.memory_space<vmem_shared>>
    tpu.enqueue_indirect_dma source(%dma_start3A_248 : memref<1015808xf32, #tpu.memory_space<vmem_shared>>) target(%dma_start3A_243 : memref<128xf32, #tpu.memory_space<vmem>>) offsets(%dma_start3A_246 : memref<128xi32, #tpu.memory_space<vmem>>) semaphore(%arg9 : memref<!tpu.dma_semaphore, #tpu.memory_space<semaphore_mem>>)
    %broadcast_in_dim3A = arith.constant 0.000000e+00 : f32
    %broadcast_in_dim3A_249 = vector.broadcast %broadcast_in_dim3A : f32 to vector<16xf32>
    %broadcast_in_dim3A_250 = arith.constant 0.000000e+00 : f32
    %broadcast_in_dim3A_251 = vector.broadcast %broadcast_in_dim3A_250 : f32 to vector<16xf32>
    %broadcast_in_dim3A_252 = arith.constant 0.000000e+00 : f32
    %broadcast_in_dim3A_253 = vector.broadcast %broadcast_in_dim3A_252 : f32 to vector<16xf32>
    %broadcast_in_dim3A_254 = arith.constant 0.000000e+00 : f32
    %broadcast_in_dim3A_255 = vector.broadcast %broadcast_in_dim3A_254 : f32 to vector<16xf32>
    %broadcast_in_dim3A_256 = arith.constant 0.000000e+00 : f32
    %broadcast_in_dim3A_257 = vector.broadcast %broadcast_in_dim3A_256 : f32 to vector<16xf32>
    %broadcast_in_dim3A_258 = arith.constant 0.000000e+00 : f32
    %broadcast_in_dim3A_259 = vector.broadcast %broadcast_in_dim3A_258 : f32 to vector<16xf32>
    %broadcast_in_dim3A_260 = arith.constant 0.000000e+00 : f32
    %broadcast_in_dim3A_261 = vector.broadcast %broadcast_in_dim3A_260 : f32 to vector<16xf32>
    %broadcast_in_dim3A_262 = arith.constant 0.000000e+00 : f32
    %broadcast_in_dim3A_263 = vector.broadcast %broadcast_in_dim3A_262 : f32 to vector<16xf32>
    %scan3A = arith.constant 0 : i32
    %scan3A_264 = arith.constant 25 : i32
    %scan3A_265 = arith.addi %scan3A, %scan3A_264 : i32
    %scan3A_266 = arith.constant 1 : i32
    %scan3A_267:8 = scf.for %scan3A_324 = %scan3A to %scan3A_265 step %scan3A_266 iter_args(%scan3A_325 = %broadcast_in_dim3A_249, %scan3A_326 = %broadcast_in_dim3A_251, %scan3A_327 = %broadcast_in_dim3A_253, %scan3A_328 = %broadcast_in_dim3A_255, %scan3A_329 = %broadcast_in_dim3A_257, %scan3A_330 = %broadcast_in_dim3A_259, %scan3A_331 = %broadcast_in_dim3A_261, %scan3A_332 = %broadcast_in_dim3A_263) -> (vector<16xf32>, vector<16xf32>, vector<16xf32>, vector<16xf32>, vector<16xf32>, vector<16xf32>, vector<16xf32>, vector<16xf32>)  : i32 {
      %lt3A = arith.constant 22 : i32
      %lt3A_333 = arith.cmpi slt, %scan3A_324, %lt3A : i32
      %convert_element_type3A = arith.extui %lt3A_333 : i1 to i32
      %cond3A = arith.constant 0 : i32
      %cond3A_334 = arith.cmpi ne, %convert_element_type3A, %cond3A : i32
      scf.if %cond3A_334 {
        %add3A_990 = arith.constant 3 : i32
        %add3A_991 = arith.addi %scan3A_324, %add3A_990 : i32
        %mul3A_992 = arith.constant 8 : i32
        %mul3A_993 = arith.muli %add3A_991, %mul3A_992 : i32
        %add3A_994 = arith.constant 0 : i32
        %add3A_995 = arith.addi %mul3A_993, %add3A_994 : i32
        %dma_start3A_996 = arith.constant 0 : i32
        %dma_start3A_997 = tpu.memref_slice %arg6[%add3A_995, %dma_start3A_996] : memref<200x128xf32, #tpu.memory_space<vmem>> -> memref<1x128xf32, #tpu.memory_space<vmem>>
        %dma_start3A_998 = tpu.memref_squeeze %dma_start3A_997 : memref<1x128xf32, #tpu.memory_space<vmem>> -> memref<128xf32, #tpu.memory_space<vmem>>
        %dma_start3A_999 = arith.constant 0 : i32
        %dma_start3A_1000 = tpu.memref_slice %arg5[%add3A_995, %dma_start3A_999] : memref<200x128xi32, #tpu.memory_space<vmem>> -> memref<1x128xi32, #tpu.memory_space<vmem>>
        %dma_start3A_1001 = tpu.memref_squeeze %dma_start3A_1000 : memref<1x128xi32, #tpu.memory_space<vmem>> -> memref<128xi32, #tpu.memory_space<vmem>>
        %dma_start3A_1002 = arith.constant 0 : i32
        %dma_start3A_1003 = tpu.memref_slice %arg8[%dma_start3A_1002] : memref<1015808xf32, #tpu.memory_space<vmem_shared>> -> memref<1015808xf32, #tpu.memory_space<vmem_shared>>
        tpu.enqueue_indirect_dma source(%dma_start3A_1003 : memref<1015808xf32, #tpu.memory_space<vmem_shared>>) target(%dma_start3A_998 : memref<128xf32, #tpu.memory_space<vmem>>) offsets(%dma_start3A_1001 : memref<128xi32, #tpu.memory_space<vmem>>) semaphore(%arg9 : memref<!tpu.dma_semaphore, #tpu.memory_space<semaphore_mem>>)
        %mul3A_1004 = arith.constant 8 : i32
        %mul3A_1005 = arith.muli %add3A_991, %mul3A_1004 : i32
        %add3A_1006 = arith.constant 1 : i32
        %add3A_1007 = arith.addi %mul3A_1005, %add3A_1006 : i32
        %dma_start3A_1008 = arith.constant 0 : i32
        %dma_start3A_1009 = tpu.memref_slice %arg6[%add3A_1007, %dma_start3A_1008] : memref<200x128xf32, #tpu.memory_space<vmem>> -> memref<1x128xf32, #tpu.memory_space<vmem>>
        %dma_start3A_1010 = tpu.memref_squeeze %dma_start3A_1009 : memref<1x128xf32, #tpu.memory_space<vmem>> -> memref<128xf32, #tpu.memory_space<vmem>>
        %dma_start3A_1011 = arith.constant 0 : i32
        %dma_start3A_1012 = tpu.memref_slice %arg5[%add3A_1007, %dma_start3A_1011] : memref<200x128xi32, #tpu.memory_space<vmem>> -> memref<1x128xi32, #tpu.memory_space<vmem>>
        %dma_start3A_1013 = tpu.memref_squeeze %dma_start3A_1012 : memref<1x128xi32, #tpu.memory_space<vmem>> -> memref<128xi32, #tpu.memory_space<vmem>>
        %dma_start3A_1014 = arith.constant 0 : i32
        %dma_start3A_1015 = tpu.memref_slice %arg8[%dma_start3A_1014] : memref<1015808xf32, #tpu.memory_space<vmem_shared>> -> memref<1015808xf32, #tpu.memory_space<vmem_shared>>
        tpu.enqueue_indirect_dma source(%dma_start3A_1015 : memref<1015808xf32, #tpu.memory_space<vmem_shared>>) target(%dma_start3A_1010 : memref<128xf32, #tpu.memory_space<vmem>>) offsets(%dma_start3A_1013 : memref<128xi32, #tpu.memory_space<vmem>>) semaphore(%arg9 : memref<!tpu.dma_semaphore, #tpu.memory_space<semaphore_mem>>)
        %mul3A_1016 = arith.constant 8 : i32
        %mul3A_1017 = arith.muli %add3A_991, %mul3A_1016 : i32
        %add3A_1018 = arith.constant 2 : i32
        %add3A_1019 = arith.addi %mul3A_1017, %add3A_1018 : i32
        %dma_start3A_1020 = arith.constant 0 : i32
        %dma_start3A_1021 = tpu.memref_slice %arg6[%add3A_1019, %dma_start3A_1020] : memref<200x128xf32, #tpu.memory_space<vmem>> -> memref<1x128xf32, #tpu.memory_space<vmem>>
        %dma_start3A_1022 = tpu.memref_squeeze %dma_start3A_1021 : memref<1x128xf32, #tpu.memory_space<vmem>> -> memref<128xf32, #tpu.memory_space<vmem>>
        %dma_start3A_1023 = arith.constant 0 : i32
        %dma_start3A_1024 = tpu.memref_slice %arg5[%add3A_1019, %dma_start3A_1023] : memref<200x128xi32, #tpu.memory_space<vmem>> -> memref<1x128xi32, #tpu.memory_space<vmem>>
        %dma_start3A_1025 = tpu.memref_squeeze %dma_start3A_1024 : memref<1x128xi32, #tpu.memory_space<vmem>> -> memref<128xi32, #tpu.memory_space<vmem>>
        %dma_start3A_1026 = arith.constant 0 : i32
        %dma_start3A_1027 = tpu.memref_slice %arg8[%dma_start3A_1026] : memref<1015808xf32, #tpu.memory_space<vmem_shared>> -> memref<1015808xf32, #tpu.memory_space<vmem_shared>>
        tpu.enqueue_indirect_dma source(%dma_start3A_1027 : memref<1015808xf32, #tpu.memory_space<vmem_shared>>) target(%dma_start3A_1022 : memref<128xf32, #tpu.memory_space<vmem>>) offsets(%dma_start3A_1025 : memref<128xi32, #tpu.memory_space<vmem>>) semaphore(%arg9 : memref<!tpu.dma_semaphore, #tpu.memory_space<semaphore_mem>>)
        %mul3A_1028 = arith.constant 8 : i32
        %mul3A_1029 = arith.muli %add3A_991, %mul3A_1028 : i32
        %add3A_1030 = arith.constant 3 : i32
        %add3A_1031 = arith.addi %mul3A_1029, %add3A_1030 : i32
        %dma_start3A_1032 = arith.constant 0 : i32
        %dma_start3A_1033 = tpu.memref_slice %arg6[%add3A_1031, %dma_start3A_1032] : memref<200x128xf32, #tpu.memory_space<vmem>> -> memref<1x128xf32, #tpu.memory_space<vmem>>
        %dma_start3A_1034 = tpu.memref_squeeze %dma_start3A_1033 : memref<1x128xf32, #tpu.memory_space<vmem>> -> memref<128xf32, #tpu.memory_space<vmem>>
        %dma_start3A_1035 = arith.constant 0 : i32
        %dma_start3A_1036 = tpu.memref_slice %arg5[%add3A_1031, %dma_start3A_1035] : memref<200x128xi32, #tpu.memory_space<vmem>> -> memref<1x128xi32, #tpu.memory_space<vmem>>
        %dma_start3A_1037 = tpu.memref_squeeze %dma_start3A_1036 : memref<1x128xi32, #tpu.memory_space<vmem>> -> memref<128xi32, #tpu.memory_space<vmem>>
        %dma_start3A_1038 = arith.constant 0 : i32
        %dma_start3A_1039 = tpu.memref_slice %arg8[%dma_start3A_1038] : memref<1015808xf32, #tpu.memory_space<vmem_shared>> -> memref<1015808xf32, #tpu.memory_space<vmem_shared>>
        tpu.enqueue_indirect_dma source(%dma_start3A_1039 : memref<1015808xf32, #tpu.memory_space<vmem_shared>>) target(%dma_start3A_1034 : memref<128xf32, #tpu.memory_space<vmem>>) offsets(%dma_start3A_1037 : memref<128xi32, #tpu.memory_space<vmem>>) semaphore(%arg9 : memref<!tpu.dma_semaphore, #tpu.memory_space<semaphore_mem>>)
        %mul3A_1040 = arith.constant 8 : i32
        %mul3A_1041 = arith.muli %add3A_991, %mul3A_1040 : i32
        %add3A_1042 = arith.constant 4 : i32
        %add3A_1043 = arith.addi %mul3A_1041, %add3A_1042 : i32
        %dma_start3A_1044 = arith.constant 0 : i32
        %dma_start3A_1045 = tpu.memref_slice %arg6[%add3A_1043, %dma_start3A_1044] : memref<200x128xf32, #tpu.memory_space<vmem>> -> memref<1x128xf32, #tpu.memory_space<vmem>>
        %dma_start3A_1046 = tpu.memref_squeeze %dma_start3A_1045 : memref<1x128xf32, #tpu.memory_space<vmem>> -> memref<128xf32, #tpu.memory_space<vmem>>
        %dma_start3A_1047 = arith.constant 0 : i32
        %dma_start3A_1048 = tpu.memref_slice %arg5[%add3A_1043, %dma_start3A_1047] : memref<200x128xi32, #tpu.memory_space<vmem>> -> memref<1x128xi32, #tpu.memory_space<vmem>>
        %dma_start3A_1049 = tpu.memref_squeeze %dma_start3A_1048 : memref<1x128xi32, #tpu.memory_space<vmem>> -> memref<128xi32, #tpu.memory_space<vmem>>
        %dma_start3A_1050 = arith.constant 0 : i32
        %dma_start3A_1051 = tpu.memref_slice %arg8[%dma_start3A_1050] : memref<1015808xf32, #tpu.memory_space<vmem_shared>> -> memref<1015808xf32, #tpu.memory_space<vmem_shared>>
        tpu.enqueue_indirect_dma source(%dma_start3A_1051 : memref<1015808xf32, #tpu.memory_space<vmem_shared>>) target(%dma_start3A_1046 : memref<128xf32, #tpu.memory_space<vmem>>) offsets(%dma_start3A_1049 : memref<128xi32, #tpu.memory_space<vmem>>) semaphore(%arg9 : memref<!tpu.dma_semaphore, #tpu.memory_space<semaphore_mem>>)
        %mul3A_1052 = arith.constant 8 : i32
        %mul3A_1053 = arith.muli %add3A_991, %mul3A_1052 : i32
        %add3A_1054 = arith.constant 5 : i32
        %add3A_1055 = arith.addi %mul3A_1053, %add3A_1054 : i32
        %dma_start3A_1056 = arith.constant 0 : i32
        %dma_start3A_1057 = tpu.memref_slice %arg6[%add3A_1055, %dma_start3A_1056] : memref<200x128xf32, #tpu.memory_space<vmem>> -> memref<1x128xf32, #tpu.memory_space<vmem>>
        %dma_start3A_1058 = tpu.memref_squeeze %dma_start3A_1057 : memref<1x128xf32, #tpu.memory_space<vmem>> -> memref<128xf32, #tpu.memory_space<vmem>>
        %dma_start3A_1059 = arith.constant 0 : i32
        %dma_start3A_1060 = tpu.memref_slice %arg5[%add3A_1055, %dma_start3A_1059] : memref<200x128xi32, #tpu.memory_space<vmem>> -> memref<1x128xi32, #tpu.memory_space<vmem>>
        %dma_start3A_1061 = tpu.memref_squeeze %dma_start3A_1060 : memref<1x128xi32, #tpu.memory_space<vmem>> -> memref<128xi32, #tpu.memory_space<vmem>>
        %dma_start3A_1062 = arith.constant 0 : i32
        %dma_start3A_1063 = tpu.memref_slice %arg8[%dma_start3A_1062] : memref<1015808xf32, #tpu.memory_space<vmem_shared>> -> memref<1015808xf32, #tpu.memory_space<vmem_shared>>
        tpu.enqueue_indirect_dma source(%dma_start3A_1063 : memref<1015808xf32, #tpu.memory_space<vmem_shared>>) target(%dma_start3A_1058 : memref<128xf32, #tpu.memory_space<vmem>>) offsets(%dma_start3A_1061 : memref<128xi32, #tpu.memory_space<vmem>>) semaphore(%arg9 : memref<!tpu.dma_semaphore, #tpu.memory_space<semaphore_mem>>)
        %mul3A_1064 = arith.constant 8 : i32
        %mul3A_1065 = arith.muli %add3A_991, %mul3A_1064 : i32
        %add3A_1066 = arith.constant 6 : i32
        %add3A_1067 = arith.addi %mul3A_1065, %add3A_1066 : i32
        %dma_start3A_1068 = arith.constant 0 : i32
        %dma_start3A_1069 = tpu.memref_slice %arg6[%add3A_1067, %dma_start3A_1068] : memref<200x128xf32, #tpu.memory_space<vmem>> -> memref<1x128xf32, #tpu.memory_space<vmem>>
        %dma_start3A_1070 = tpu.memref_squeeze %dma_start3A_1069 : memref<1x128xf32, #tpu.memory_space<vmem>> -> memref<128xf32, #tpu.memory_space<vmem>>
        %dma_start3A_1071 = arith.constant 0 : i32
        %dma_start3A_1072 = tpu.memref_slice %arg5[%add3A_1067, %dma_start3A_1071] : memref<200x128xi32, #tpu.memory_space<vmem>> -> memref<1x128xi32, #tpu.memory_space<vmem>>
        %dma_start3A_1073 = tpu.memref_squeeze %dma_start3A_1072 : memref<1x128xi32, #tpu.memory_space<vmem>> -> memref<128xi32, #tpu.memory_space<vmem>>
        %dma_start3A_1074 = arith.constant 0 : i32
        %dma_start3A_1075 = tpu.memref_slice %arg8[%dma_start3A_1074] : memref<1015808xf32, #tpu.memory_space<vmem_shared>> -> memref<1015808xf32, #tpu.memory_space<vmem_shared>>
        tpu.enqueue_indirect_dma source(%dma_start3A_1075 : memref<1015808xf32, #tpu.memory_space<vmem_shared>>) target(%dma_start3A_1070 : memref<128xf32, #tpu.memory_space<vmem>>) offsets(%dma_start3A_1073 : memref<128xi32, #tpu.memory_space<vmem>>) semaphore(%arg9 : memref<!tpu.dma_semaphore, #tpu.memory_space<semaphore_mem>>)
        %mul3A_1076 = arith.constant 8 : i32
        %mul3A_1077 = arith.muli %add3A_991, %mul3A_1076 : i32
        %add3A_1078 = arith.constant 7 : i32
        %add3A_1079 = arith.addi %mul3A_1077, %add3A_1078 : i32
        %dma_start3A_1080 = arith.constant 0 : i32
        %dma_start3A_1081 = tpu.memref_slice %arg6[%add3A_1079, %dma_start3A_1080] : memref<200x128xf32, #tpu.memory_space<vmem>> -> memref<1x128xf32, #tpu.memory_space<vmem>>
        %dma_start3A_1082 = tpu.memref_squeeze %dma_start3A_1081 : memref<1x128xf32, #tpu.memory_space<vmem>> -> memref<128xf32, #tpu.memory_space<vmem>>
        %dma_start3A_1083 = arith.constant 0 : i32
        %dma_start3A_1084 = tpu.memref_slice %arg5[%add3A_1079, %dma_start3A_1083] : memref<200x128xi32, #tpu.memory_space<vmem>> -> memref<1x128xi32, #tpu.memory_space<vmem>>
        %dma_start3A_1085 = tpu.memref_squeeze %dma_start3A_1084 : memref<1x128xi32, #tpu.memory_space<vmem>> -> memref<128xi32, #tpu.memory_space<vmem>>
        %dma_start3A_1086 = arith.constant 0 : i32
        %dma_start3A_1087 = tpu.memref_slice %arg8[%dma_start3A_1086] : memref<1015808xf32, #tpu.memory_space<vmem_shared>> -> memref<1015808xf32, #tpu.memory_space<vmem_shared>>
        tpu.enqueue_indirect_dma source(%dma_start3A_1087 : memref<1015808xf32, #tpu.memory_space<vmem_shared>>) target(%dma_start3A_1082 : memref<128xf32, #tpu.memory_space<vmem>>) offsets(%dma_start3A_1085 : memref<128xi32, #tpu.memory_space<vmem>>) semaphore(%arg9 : memref<!tpu.dma_semaphore, #tpu.memory_space<semaphore_mem>>)
      } else {
      }
      %dma_wait3A_335 = arith.constant 0 : i32
      %dma_wait3A_336 = arith.constant 0 : i32
      %dma_wait3A_337 = arith.constant 0 : i32
      %dma_wait3A_338 = tpu.memref_slice %arg6[%dma_wait3A_336, %dma_wait3A_337] : memref<200x128xf32, #tpu.memory_space<vmem>> -> memref<1x128xf32, #tpu.memory_space<vmem>>
      %dma_wait3A_339 = tpu.memref_squeeze %dma_wait3A_338 : memref<1x128xf32, #tpu.memory_space<vmem>> -> memref<128xf32, #tpu.memory_space<vmem>>
      %dma_wait3A_340 = arith.constant 0 : i32
      %dma_wait3A_341 = tpu.memref_slice %arg5[%dma_wait3A_335, %dma_wait3A_340] : memref<200x128xi32, #tpu.memory_space<vmem>> -> memref<1x128xi32, #tpu.memory_space<vmem>>
      %dma_wait3A_342 = tpu.memref_squeeze %dma_wait3A_341 : memref<1x128xi32, #tpu.memory_space<vmem>> -> memref<128xi32, #tpu.memory_space<vmem>>
      %dma_wait3A_343 = arith.constant 0 : i32
      %dma_wait3A_344 = tpu.memref_slice %arg3[%dma_wait3A_343] : memref<1015808xf32, #tpu.memory_space<hbm>> -> memref<1015808xf32, #tpu.memory_space<hbm>>
      tpu.wait_indirect_dma semaphore(%arg9 : memref<!tpu.dma_semaphore, #tpu.memory_space<semaphore_mem>>) src(%dma_wait3A_344 : memref<1015808xf32, #tpu.memory_space<hbm>>) dst(%dma_wait3A_339 : memref<128xf32, #tpu.memory_space<vmem>>)
      %dma_wait3A_345 = arith.constant 0 : i32
      %dma_wait3A_346 = arith.constant 0 : i32
      %dma_wait3A_347 = arith.constant 0 : i32
      %dma_wait3A_348 = tpu.memref_slice %arg6[%dma_wait3A_346, %dma_wait3A_347] : memref<200x128xf32, #tpu.memory_space<vmem>> -> memref<1x128xf32, #tpu.memory_space<vmem>>
      %dma_wait3A_349 = tpu.memref_squeeze %dma_wait3A_348 : memref<1x128xf32, #tpu.memory_space<vmem>> -> memref<128xf32, #tpu.memory_space<vmem>>
      %dma_wait3A_350 = arith.constant 0 : i32
      %dma_wait3A_351 = tpu.memref_slice %arg5[%dma_wait3A_345, %dma_wait3A_350] : memref<200x128xi32, #tpu.memory_space<vmem>> -> memref<1x128xi32, #tpu.memory_space<vmem>>
      %dma_wait3A_352 = tpu.memref_squeeze %dma_wait3A_351 : memref<1x128xi32, #tpu.memory_space<vmem>> -> memref<128xi32, #tpu.memory_space<vmem>>
      %dma_wait3A_353 = arith.constant 0 : i32
      %dma_wait3A_354 = tpu.memref_slice %arg3[%dma_wait3A_353] : memref<1015808xf32, #tpu.memory_space<hbm>> -> memref<1015808xf32, #tpu.memory_space<hbm>>
      tpu.wait_indirect_dma semaphore(%arg9 : memref<!tpu.dma_semaphore, #tpu.memory_space<semaphore_mem>>) src(%dma_wait3A_354 : memref<1015808xf32, #tpu.memory_space<hbm>>) dst(%dma_wait3A_349 : memref<128xf32, #tpu.memory_space<vmem>>)
      %dma_wait3A_355 = arith.constant 0 : i32
      %dma_wait3A_356 = arith.constant 0 : i32
      %dma_wait3A_357 = arith.constant 0 : i32
      %dma_wait3A_358 = tpu.memref_slice %arg6[%dma_wait3A_356, %dma_wait3A_357] : memref<200x128xf32, #tpu.memory_space<vmem>> -> memref<1x128xf32, #tpu.memory_space<vmem>>
      %dma_wait3A_359 = tpu.memref_squeeze %dma_wait3A_358 : memref<1x128xf32, #tpu.memory_space<vmem>> -> memref<128xf32, #tpu.memory_space<vmem>>
      %dma_wait3A_360 = arith.constant 0 : i32
      %dma_wait3A_361 = tpu.memref_slice %arg5[%dma_wait3A_355, %dma_wait3A_360] : memref<200x128xi32, #tpu.memory_space<vmem>> -> memref<1x128xi32, #tpu.memory_space<vmem>>
      %dma_wait3A_362 = tpu.memref_squeeze %dma_wait3A_361 : memref<1x128xi32, #tpu.memory_space<vmem>> -> memref<128xi32, #tpu.memory_space<vmem>>
      %dma_wait3A_363 = arith.constant 0 : i32
      %dma_wait3A_364 = tpu.memref_slice %arg3[%dma_wait3A_363] : memref<1015808xf32, #tpu.memory_space<hbm>> -> memref<1015808xf32, #tpu.memory_space<hbm>>
      tpu.wait_indirect_dma semaphore(%arg9 : memref<!tpu.dma_semaphore, #tpu.memory_space<semaphore_mem>>) src(%dma_wait3A_364 : memref<1015808xf32, #tpu.memory_space<hbm>>) dst(%dma_wait3A_359 : memref<128xf32, #tpu.memory_space<vmem>>)
      %dma_wait3A_365 = arith.constant 0 : i32
      %dma_wait3A_366 = arith.constant 0 : i32
      %dma_wait3A_367 = arith.constant 0 : i32
      %dma_wait3A_368 = tpu.memref_slice %arg6[%dma_wait3A_366, %dma_wait3A_367] : memref<200x128xf32, #tpu.memory_space<vmem>> -> memref<1x128xf32, #tpu.memory_space<vmem>>
      %dma_wait3A_369 = tpu.memref_squeeze %dma_wait3A_368 : memref<1x128xf32, #tpu.memory_space<vmem>> -> memref<128xf32, #tpu.memory_space<vmem>>
      %dma_wait3A_370 = arith.constant 0 : i32
      %dma_wait3A_371 = tpu.memref_slice %arg5[%dma_wait3A_365, %dma_wait3A_370] : memref<200x128xi32, #tpu.memory_space<vmem>> -> memref<1x128xi32, #tpu.memory_space<vmem>>
      %dma_wait3A_372 = tpu.memref_squeeze %dma_wait3A_371 : memref<1x128xi32, #tpu.memory_space<vmem>> -> memref<128xi32, #tpu.memory_space<vmem>>
      %dma_wait3A_373 = arith.constant 0 : i32
      %dma_wait3A_374 = tpu.memref_slice %arg3[%dma_wait3A_373] : memref<1015808xf32, #tpu.memory_space<hbm>> -> memref<1015808xf32, #tpu.memory_space<hbm>>
      tpu.wait_indirect_dma semaphore(%arg9 : memref<!tpu.dma_semaphore, #tpu.memory_space<semaphore_mem>>) src(%dma_wait3A_374 : memref<1015808xf32, #tpu.memory_space<hbm>>) dst(%dma_wait3A_369 : memref<128xf32, #tpu.memory_space<vmem>>)
      %dma_wait3A_375 = arith.constant 0 : i32
      %dma_wait3A_376 = arith.constant 0 : i32
      %dma_wait3A_377 = arith.constant 0 : i32
      %dma_wait3A_378 = tpu.memref_slice %arg6[%dma_wait3A_376, %dma_wait3A_377] : memref<200x128xf32, #tpu.memory_space<vmem>> -> memref<1x128xf32, #tpu.memory_space<vmem>>
      %dma_wait3A_379 = tpu.memref_squeeze %dma_wait3A_378 : memref<1x128xf32, #tpu.memory_space<vmem>> -> memref<128xf32, #tpu.memory_space<vmem>>
      %dma_wait3A_380 = arith.constant 0 : i32
      %dma_wait3A_381 = tpu.memref_slice %arg5[%dma_wait3A_375, %dma_wait3A_380] : memref<200x128xi32, #tpu.memory_space<vmem>> -> memref<1x128xi32, #tpu.memory_space<vmem>>
      %dma_wait3A_382 = tpu.memref_squeeze %dma_wait3A_381 : memref<1x128xi32, #tpu.memory_space<vmem>> -> memref<128xi32, #tpu.memory_space<vmem>>
      %dma_wait3A_383 = arith.constant 0 : i32
      %dma_wait3A_384 = tpu.memref_slice %arg3[%dma_wait3A_383] : memref<1015808xf32, #tpu.memory_space<hbm>> -> memref<1015808xf32, #tpu.memory_space<hbm>>
      tpu.wait_indirect_dma semaphore(%arg9 : memref<!tpu.dma_semaphore, #tpu.memory_space<semaphore_mem>>) src(%dma_wait3A_384 : memref<1015808xf32, #tpu.memory_space<hbm>>) dst(%dma_wait3A_379 : memref<128xf32, #tpu.memory_space<vmem>>)
      %dma_wait3A_385 = arith.constant 0 : i32
      %dma_wait3A_386 = arith.constant 0 : i32
      %dma_wait3A_387 = arith.constant 0 : i32
      %dma_wait3A_388 = tpu.memref_slice %arg6[%dma_wait3A_386, %dma_wait3A_387] : memref<200x128xf32, #tpu.memory_space<vmem>> -> memref<1x128xf32, #tpu.memory_space<vmem>>
      %dma_wait3A_389 = tpu.memref_squeeze %dma_wait3A_388 : memref<1x128xf32, #tpu.memory_space<vmem>> -> memref<128xf32, #tpu.memory_space<vmem>>
      %dma_wait3A_390 = arith.constant 0 : i32
      %dma_wait3A_391 = tpu.memref_slice %arg5[%dma_wait3A_385, %dma_wait3A_390] : memref<200x128xi32, #tpu.memory_space<vmem>> -> memref<1x128xi32, #tpu.memory_space<vmem>>
      %dma_wait3A_392 = tpu.memref_squeeze %dma_wait3A_391 : memref<1x128xi32, #tpu.memory_space<vmem>> -> memref<128xi32, #tpu.memory_space<vmem>>
      %dma_wait3A_393 = arith.constant 0 : i32
      %dma_wait3A_394 = tpu.memref_slice %arg3[%dma_wait3A_393] : memref<1015808xf32, #tpu.memory_space<hbm>> -> memref<1015808xf32, #tpu.memory_space<hbm>>
      tpu.wait_indirect_dma semaphore(%arg9 : memref<!tpu.dma_semaphore, #tpu.memory_space<semaphore_mem>>) src(%dma_wait3A_394 : memref<1015808xf32, #tpu.memory_space<hbm>>) dst(%dma_wait3A_389 : memref<128xf32, #tpu.memory_space<vmem>>)
      %dma_wait3A_395 = arith.constant 0 : i32
      %dma_wait3A_396 = arith.constant 0 : i32
      %dma_wait3A_397 = arith.constant 0 : i32
      %dma_wait3A_398 = tpu.memref_slice %arg6[%dma_wait3A_396, %dma_wait3A_397] : memref<200x128xf32, #tpu.memory_space<vmem>> -> memref<1x128xf32, #tpu.memory_space<vmem>>
      %dma_wait3A_399 = tpu.memref_squeeze %dma_wait3A_398 : memref<1x128xf32, #tpu.memory_space<vmem>> -> memref<128xf32, #tpu.memory_space<vmem>>
      %dma_wait3A_400 = arith.constant 0 : i32
      %dma_wait3A_401 = tpu.memref_slice %arg5[%dma_wait3A_395, %dma_wait3A_400] : memref<200x128xi32, #tpu.memory_space<vmem>> -> memref<1x128xi32, #tpu.memory_space<vmem>>
      %dma_wait3A_402 = tpu.memref_squeeze %dma_wait3A_401 : memref<1x128xi32, #tpu.memory_space<vmem>> -> memref<128xi32, #tpu.memory_space<vmem>>
      %dma_wait3A_403 = arith.constant 0 : i32
      %dma_wait3A_404 = tpu.memref_slice %arg3[%dma_wait3A_403] : memref<1015808xf32, #tpu.memory_space<hbm>> -> memref<1015808xf32, #tpu.memory_space<hbm>>
      tpu.wait_indirect_dma semaphore(%arg9 : memref<!tpu.dma_semaphore, #tpu.memory_space<semaphore_mem>>) src(%dma_wait3A_404 : memref<1015808xf32, #tpu.memory_space<hbm>>) dst(%dma_wait3A_399 : memref<128xf32, #tpu.memory_space<vmem>>)
      %dma_wait3A_405 = arith.constant 0 : i32
      %dma_wait3A_406 = arith.constant 0 : i32
      %dma_wait3A_407 = arith.constant 0 : i32
      %dma_wait3A_408 = tpu.memref_slice %arg6[%dma_wait3A_406, %dma_wait3A_407] : memref<200x128xf32, #tpu.memory_space<vmem>> -> memref<1x128xf32, #tpu.memory_space<vmem>>
      %dma_wait3A_409 = tpu.memref_squeeze %dma_wait3A_408 : memref<1x128xf32, #tpu.memory_space<vmem>> -> memref<128xf32, #tpu.memory_space<vmem>>
      %dma_wait3A_410 = arith.constant 0 : i32
      %dma_wait3A_411 = tpu.memref_slice %arg5[%dma_wait3A_405, %dma_wait3A_410] : memref<200x128xi32, #tpu.memory_space<vmem>> -> memref<1x128xi32, #tpu.memory_space<vmem>>
      %dma_wait3A_412 = tpu.memref_squeeze %dma_wait3A_411 : memref<1x128xi32, #tpu.memory_space<vmem>> -> memref<128xi32, #tpu.memory_space<vmem>>
      %dma_wait3A_413 = arith.constant 0 : i32
      %dma_wait3A_414 = tpu.memref_slice %arg3[%dma_wait3A_413] : memref<1015808xf32, #tpu.memory_space<hbm>> -> memref<1015808xf32, #tpu.memory_space<hbm>>
      tpu.wait_indirect_dma semaphore(%arg9 : memref<!tpu.dma_semaphore, #tpu.memory_space<semaphore_mem>>) src(%dma_wait3A_414 : memref<1015808xf32, #tpu.memory_space<hbm>>) dst(%dma_wait3A_409 : memref<128xf32, #tpu.memory_space<vmem>>)
      %mul3A_415 = arith.constant 8 : i32
      %mul3A_416 = arith.muli %scan3A_324, %mul3A_415 : i32
      %add3A_417 = arith.constant 0 : i32
      %add3A_418 = arith.addi %mul3A_416, %add3A_417 : i32
      %get3A = arith.index_cast %add3A_418 : i32 to index
      %get3A_419 = arith.constant 0 : index
      %get3A_420 = tpu.vector_load %arg6[%get3A, %get3A_419] {strides = array<i32>} : memref<200x128xf32, #tpu.memory_space<vmem>>, vector<1x16xf32>,
      %get3A_421 = vector.shape_cast %get3A_420 : vector<1x16xf32> to vector<16xf32>
      %add3A_422 = arith.addf %scan3A_325, %get3A_421 : vector<16xf32>
      %mul3A_423 = arith.constant 8 : i32
      %mul3A_424 = arith.muli %scan3A_324, %mul3A_423 : i32
      %add3A_425 = arith.constant 1 : i32
      %add3A_426 = arith.addi %mul3A_424, %add3A_425 : i32
      %get3A_427 = arith.index_cast %add3A_426 : i32 to index
      %get3A_428 = arith.constant 0 : index
      %get3A_429 = tpu.vector_load %arg6[%get3A_427, %get3A_428] {strides = array<i32>} : memref<200x128xf32, #tpu.memory_space<vmem>>, vector<1x16xf32>,
      %get3A_430 = vector.shape_cast %get3A_429 : vector<1x16xf32> to vector<16xf32>
      %add3A_431 = arith.addf %add3A_422, %get3A_430 : vector<16xf32>
      %mul3A_432 = arith.constant 8 : i32
      %mul3A_433 = arith.muli %scan3A_324, %mul3A_432 : i32
      %add3A_434 = arith.constant 2 : i32
      %add3A_435 = arith.addi %mul3A_433, %add3A_434 : i32
      %get3A_436 = arith.index_cast %add3A_435 : i32 to index
      %get3A_437 = arith.constant 0 : index
      %get3A_438 = tpu.vector_load %arg6[%get3A_436, %get3A_437] {strides = array<i32>} : memref<200x128xf32, #tpu.memory_space<vmem>>, vector<1x16xf32>,
      %get3A_439 = vector.shape_cast %get3A_438 : vector<1x16xf32> to vector<16xf32>
      %add3A_440 = arith.addf %add3A_431, %get3A_439 : vector<16xf32>
      %mul3A_441 = arith.constant 8 : i32
      %mul3A_442 = arith.muli %scan3A_324, %mul3A_441 : i32
      %add3A_443 = arith.constant 3 : i32
      %add3A_444 = arith.addi %mul3A_442, %add3A_443 : i32
      %get3A_445 = arith.index_cast %add3A_444 : i32 to index
      %get3A_446 = arith.constant 0 : index
      %get3A_447 = tpu.vector_load %arg6[%get3A_445, %get3A_446] {strides = array<i32>} : memref<200x128xf32, #tpu.memory_space<vmem>>, vector<1x16xf32>,
      %get3A_448 = vector.shape_cast %get3A_447 : vector<1x16xf32> to vector<16xf32>
      %add3A_449 = arith.addf %add3A_440, %get3A_448 : vector<16xf32>
      %mul3A_450 = arith.constant 8 : i32
      %mul3A_451 = arith.muli %scan3A_324, %mul3A_450 : i32
      %add3A_452 = arith.constant 4 : i32
      %add3A_453 = arith.addi %mul3A_451, %add3A_452 : i32
      %get3A_454 = arith.index_cast %add3A_453 : i32 to index
      %get3A_455 = arith.constant 0 : index
      %get3A_456 = tpu.vector_load %arg6[%get3A_454, %get3A_455] {strides = array<i32>} : memref<200x128xf32, #tpu.memory_space<vmem>>, vector<1x16xf32>,
      %get3A_457 = vector.shape_cast %get3A_456 : vector<1x16xf32> to vector<16xf32>
      %add3A_458 = arith.addf %add3A_449, %get3A_457 : vector<16xf32>
      %mul3A_459 = arith.constant 8 : i32
      %mul3A_460 = arith.muli %scan3A_324, %mul3A_459 : i32
      %add3A_461 = arith.constant 5 : i32
      %add3A_462 = arith.addi %mul3A_460, %add3A_461 : i32
      %get3A_463 = arith.index_cast %add3A_462 : i32 to index
      %get3A_464 = arith.constant 0 : index
      %get3A_465 = tpu.vector_load %arg6[%get3A_463, %get3A_464] {strides = array<i32>} : memref<200x128xf32, #tpu.memory_space<vmem>>, vector<1x16xf32>,
      %get3A_466 = vector.shape_cast %get3A_465 : vector<1x16xf32> to vector<16xf32>
      %add3A_467 = arith.addf %add3A_458, %get3A_466 : vector<16xf32>
      %mul3A_468 = arith.constant 8 : i32
      %mul3A_469 = arith.muli %scan3A_324, %mul3A_468 : i32
      %add3A_470 = arith.constant 6 : i32
      %add3A_471 = arith.addi %mul3A_469, %add3A_470 : i32
      %get3A_472 = arith.index_cast %add3A_471 : i32 to index
      %get3A_473 = arith.constant 0 : index
      %get3A_474 = tpu.vector_load %arg6[%get3A_472, %get3A_473] {strides = array<i32>} : memref<200x128xf32, #tpu.memory_space<vmem>>, vector<1x16xf32>,
      %get3A_475 = vector.shape_cast %get3A_474 : vector<1x16xf32> to vector<16xf32>
      %add3A_476 = arith.addf %add3A_467, %get3A_475 : vector<16xf32>
      %mul3A_477 = arith.constant 8 : i32
      %mul3A_478 = arith.muli %scan3A_324, %mul3A_477 : i32
      %add3A_479 = arith.constant 7 : i32
      %add3A_480 = arith.addi %mul3A_478, %add3A_479 : i32
      %get3A_481 = arith.index_cast %add3A_480 : i32 to index
      %get3A_482 = arith.constant 0 : index
      %get3A_483 = tpu.vector_load %arg6[%get3A_481, %get3A_482] {strides = array<i32>} : memref<200x128xf32, #tpu.memory_space<vmem>>, vector<1x16xf32>,
      %get3A_484 = vector.shape_cast %get3A_483 : vector<1x16xf32> to vector<16xf32>
      %add3A_485 = arith.addf %add3A_476, %get3A_484 : vector<16xf32>
      %mul3A_486 = arith.constant 8 : i32
      %mul3A_487 = arith.muli %scan3A_324, %mul3A_486 : i32
      %add3A_488 = arith.constant 0 : i32
      %add3A_489 = arith.addi %mul3A_487, %add3A_488 : i32
      %get3A_490 = arith.index_cast %add3A_489 : i32 to index
      %get3A_491 = arith.constant 16 : index
      %get3A_492 = tpu.vector_load %arg6[%get3A_490, %get3A_491] {strides = array<i32>} : memref<200x128xf32, #tpu.memory_space<vmem>>, vector<1x16xf32>,
      %get3A_493 = vector.shape_cast %get3A_492 : vector<1x16xf32> to vector<16xf32>
      %add3A_494 = arith.addf %scan3A_326, %get3A_493 : vector<16xf32>
      %mul3A_495 = arith.constant 8 : i32
      %mul3A_496 = arith.muli %scan3A_324, %mul3A_495 : i32
      %add3A_497 = arith.constant 1 : i32
      %add3A_498 = arith.addi %mul3A_496, %add3A_497 : i32
      %get3A_499 = arith.index_cast %add3A_498 : i32 to index
      %get3A_500 = arith.constant 16 : index
      %get3A_501 = tpu.vector_load %arg6[%get3A_499, %get3A_500] {strides = array<i32>} : memref<200x128xf32, #tpu.memory_space<vmem>>, vector<1x16xf32>,
      %get3A_502 = vector.shape_cast %get3A_501 : vector<1x16xf32> to vector<16xf32>
      %add3A_503 = arith.addf %add3A_494, %get3A_502 : vector<16xf32>
      %mul3A_504 = arith.constant 8 : i32
      %mul3A_505 = arith.muli %scan3A_324, %mul3A_504 : i32
      %add3A_506 = arith.constant 2 : i32
      %add3A_507 = arith.addi %mul3A_505, %add3A_506 : i32
      %get3A_508 = arith.index_cast %add3A_507 : i32 to index
      %get3A_509 = arith.constant 16 : index
      %get3A_510 = tpu.vector_load %arg6[%get3A_508, %get3A_509] {strides = array<i32>} : memref<200x128xf32, #tpu.memory_space<vmem>>, vector<1x16xf32>,
      %get3A_511 = vector.shape_cast %get3A_510 : vector<1x16xf32> to vector<16xf32>
      %add3A_512 = arith.addf %add3A_503, %get3A_511 : vector<16xf32>
      %mul3A_513 = arith.constant 8 : i32
      %mul3A_514 = arith.muli %scan3A_324, %mul3A_513 : i32
      %add3A_515 = arith.constant 3 : i32
      %add3A_516 = arith.addi %mul3A_514, %add3A_515 : i32
      %get3A_517 = arith.index_cast %add3A_516 : i32 to index
      %get3A_518 = arith.constant 16 : index
      %get3A_519 = tpu.vector_load %arg6[%get3A_517, %get3A_518] {strides = array<i32>} : memref<200x128xf32, #tpu.memory_space<vmem>>, vector<1x16xf32>,
      %get3A_520 = vector.shape_cast %get3A_519 : vector<1x16xf32> to vector<16xf32>
      %add3A_521 = arith.addf %add3A_512, %get3A_520 : vector<16xf32>
      %mul3A_522 = arith.constant 8 : i32
      %mul3A_523 = arith.muli %scan3A_324, %mul3A_522 : i32
      %add3A_524 = arith.constant 4 : i32
      %add3A_525 = arith.addi %mul3A_523, %add3A_524 : i32
      %get3A_526 = arith.index_cast %add3A_525 : i32 to index
      %get3A_527 = arith.constant 16 : index
      %get3A_528 = tpu.vector_load %arg6[%get3A_526, %get3A_527] {strides = array<i32>} : memref<200x128xf32, #tpu.memory_space<vmem>>, vector<1x16xf32>,
      %get3A_529 = vector.shape_cast %get3A_528 : vector<1x16xf32> to vector<16xf32>
      %add3A_530 = arith.addf %add3A_521, %get3A_529 : vector<16xf32>
      %mul3A_531 = arith.constant 8 : i32
      %mul3A_532 = arith.muli %scan3A_324, %mul3A_531 : i32
      %add3A_533 = arith.constant 5 : i32
      %add3A_534 = arith.addi %mul3A_532, %add3A_533 : i32
      %get3A_535 = arith.index_cast %add3A_534 : i32 to index
      %get3A_536 = arith.constant 16 : index
      %get3A_537 = tpu.vector_load %arg6[%get3A_535, %get3A_536] {strides = array<i32>} : memref<200x128xf32, #tpu.memory_space<vmem>>, vector<1x16xf32>,
      %get3A_538 = vector.shape_cast %get3A_537 : vector<1x16xf32> to vector<16xf32>
      %add3A_539 = arith.addf %add3A_530, %get3A_538 : vector<16xf32>
      %mul3A_540 = arith.constant 8 : i32
      %mul3A_541 = arith.muli %scan3A_324, %mul3A_540 : i32
      %add3A_542 = arith.constant 6 : i32
      %add3A_543 = arith.addi %mul3A_541, %add3A_542 : i32
      %get3A_544 = arith.index_cast %add3A_543 : i32 to index
      %get3A_545 = arith.constant 16 : index
      %get3A_546 = tpu.vector_load %arg6[%get3A_544, %get3A_545] {strides = array<i32>} : memref<200x128xf32, #tpu.memory_space<vmem>>, vector<1x16xf32>,
      %get3A_547 = vector.shape_cast %get3A_546 : vector<1x16xf32> to vector<16xf32>
      %add3A_548 = arith.addf %add3A_539, %get3A_547 : vector<16xf32>
      %mul3A_549 = arith.constant 8 : i32
      %mul3A_550 = arith.muli %scan3A_324, %mul3A_549 : i32
      %add3A_551 = arith.constant 7 : i32
      %add3A_552 = arith.addi %mul3A_550, %add3A_551 : i32
      %get3A_553 = arith.index_cast %add3A_552 : i32 to index
      %get3A_554 = arith.constant 16 : index
      %get3A_555 = tpu.vector_load %arg6[%get3A_553, %get3A_554] {strides = array<i32>} : memref<200x128xf32, #tpu.memory_space<vmem>>, vector<1x16xf32>,
      %get3A_556 = vector.shape_cast %get3A_555 : vector<1x16xf32> to vector<16xf32>
      %add3A_557 = arith.addf %add3A_548, %get3A_556 : vector<16xf32>
      %mul3A_558 = arith.constant 8 : i32
      %mul3A_559 = arith.muli %scan3A_324, %mul3A_558 : i32
      %add3A_560 = arith.constant 0 : i32
      %add3A_561 = arith.addi %mul3A_559, %add3A_560 : i32
      %get3A_562 = arith.index_cast %add3A_561 : i32 to index
      %get3A_563 = arith.constant 32 : index
      %get3A_564 = tpu.vector_load %arg6[%get3A_562, %get3A_563] {strides = array<i32>} : memref<200x128xf32, #tpu.memory_space<vmem>>, vector<1x16xf32>,
      %get3A_565 = vector.shape_cast %get3A_564 : vector<1x16xf32> to vector<16xf32>
      %add3A_566 = arith.addf %scan3A_327, %get3A_565 : vector<16xf32>
      %mul3A_567 = arith.constant 8 : i32
      %mul3A_568 = arith.muli %scan3A_324, %mul3A_567 : i32
      %add3A_569 = arith.constant 1 : i32
      %add3A_570 = arith.addi %mul3A_568, %add3A_569 : i32
      %get3A_571 = arith.index_cast %add3A_570 : i32 to index
      %get3A_572 = arith.constant 32 : index
      %get3A_573 = tpu.vector_load %arg6[%get3A_571, %get3A_572] {strides = array<i32>} : memref<200x128xf32, #tpu.memory_space<vmem>>, vector<1x16xf32>,
      %get3A_574 = vector.shape_cast %get3A_573 : vector<1x16xf32> to vector<16xf32>
      %add3A_575 = arith.addf %add3A_566, %get3A_574 : vector<16xf32>
      %mul3A_576 = arith.constant 8 : i32
      %mul3A_577 = arith.muli %scan3A_324, %mul3A_576 : i32
      %add3A_578 = arith.constant 2 : i32
      %add3A_579 = arith.addi %mul3A_577, %add3A_578 : i32
      %get3A_580 = arith.index_cast %add3A_579 : i32 to index
      %get3A_581 = arith.constant 32 : index
      %get3A_582 = tpu.vector_load %arg6[%get3A_580, %get3A_581] {strides = array<i32>} : memref<200x128xf32, #tpu.memory_space<vmem>>, vector<1x16xf32>,
      %get3A_583 = vector.shape_cast %get3A_582 : vector<1x16xf32> to vector<16xf32>
      %add3A_584 = arith.addf %add3A_575, %get3A_583 : vector<16xf32>
      %mul3A_585 = arith.constant 8 : i32
      %mul3A_586 = arith.muli %scan3A_324, %mul3A_585 : i32
      %add3A_587 = arith.constant 3 : i32
      %add3A_588 = arith.addi %mul3A_586, %add3A_587 : i32
      %get3A_589 = arith.index_cast %add3A_588 : i32 to index
      %get3A_590 = arith.constant 32 : index
      %get3A_591 = tpu.vector_load %arg6[%get3A_589, %get3A_590] {strides = array<i32>} : memref<200x128xf32, #tpu.memory_space<vmem>>, vector<1x16xf32>,
      %get3A_592 = vector.shape_cast %get3A_591 : vector<1x16xf32> to vector<16xf32>
      %add3A_593 = arith.addf %add3A_584, %get3A_592 : vector<16xf32>
      %mul3A_594 = arith.constant 8 : i32
      %mul3A_595 = arith.muli %scan3A_324, %mul3A_594 : i32
      %add3A_596 = arith.constant 4 : i32
      %add3A_597 = arith.addi %mul3A_595, %add3A_596 : i32
      %get3A_598 = arith.index_cast %add3A_597 : i32 to index
      %get3A_599 = arith.constant 32 : index
      %get3A_600 = tpu.vector_load %arg6[%get3A_598, %get3A_599] {strides = array<i32>} : memref<200x128xf32, #tpu.memory_space<vmem>>, vector<1x16xf32>,
      %get3A_601 = vector.shape_cast %get3A_600 : vector<1x16xf32> to vector<16xf32>
      %add3A_602 = arith.addf %add3A_593, %get3A_601 : vector<16xf32>
      %mul3A_603 = arith.constant 8 : i32
      %mul3A_604 = arith.muli %scan3A_324, %mul3A_603 : i32
      %add3A_605 = arith.constant 5 : i32
      %add3A_606 = arith.addi %mul3A_604, %add3A_605 : i32
      %get3A_607 = arith.index_cast %add3A_606 : i32 to index
      %get3A_608 = arith.constant 32 : index
      %get3A_609 = tpu.vector_load %arg6[%get3A_607, %get3A_608] {strides = array<i32>} : memref<200x128xf32, #tpu.memory_space<vmem>>, vector<1x16xf32>,
      %get3A_610 = vector.shape_cast %get3A_609 : vector<1x16xf32> to vector<16xf32>
      %add3A_611 = arith.addf %add3A_602, %get3A_610 : vector<16xf32>
      %mul3A_612 = arith.constant 8 : i32
      %mul3A_613 = arith.muli %scan3A_324, %mul3A_612 : i32
      %add3A_614 = arith.constant 6 : i32
      %add3A_615 = arith.addi %mul3A_613, %add3A_614 : i32
      %get3A_616 = arith.index_cast %add3A_615 : i32 to index
      %get3A_617 = arith.constant 32 : index
      %get3A_618 = tpu.vector_load %arg6[%get3A_616, %get3A_617] {strides = array<i32>} : memref<200x128xf32, #tpu.memory_space<vmem>>, vector<1x16xf32>,
      %get3A_619 = vector.shape_cast %get3A_618 : vector<1x16xf32> to vector<16xf32>
      %add3A_620 = arith.addf %add3A_611, %get3A_619 : vector<16xf32>
      %mul3A_621 = arith.constant 8 : i32
      %mul3A_622 = arith.muli %scan3A_324, %mul3A_621 : i32
      %add3A_623 = arith.constant 7 : i32
      %add3A_624 = arith.addi %mul3A_622, %add3A_623 : i32
      %get3A_625 = arith.index_cast %add3A_624 : i32 to index
      %get3A_626 = arith.constant 32 : index
      %get3A_627 = tpu.vector_load %arg6[%get3A_625, %get3A_626] {strides = array<i32>} : memref<200x128xf32, #tpu.memory_space<vmem>>, vector<1x16xf32>,
      %get3A_628 = vector.shape_cast %get3A_627 : vector<1x16xf32> to vector<16xf32>
      %add3A_629 = arith.addf %add3A_620, %get3A_628 : vector<16xf32>
      %mul3A_630 = arith.constant 8 : i32
      %mul3A_631 = arith.muli %scan3A_324, %mul3A_630 : i32
      %add3A_632 = arith.constant 0 : i32
      %add3A_633 = arith.addi %mul3A_631, %add3A_632 : i32
      %get3A_634 = arith.index_cast %add3A_633 : i32 to index
      %get3A_635 = arith.constant 48 : index
      %get3A_636 = tpu.vector_load %arg6[%get3A_634, %get3A_635] {strides = array<i32>} : memref<200x128xf32, #tpu.memory_space<vmem>>, vector<1x16xf32>,
      %get3A_637 = vector.shape_cast %get3A_636 : vector<1x16xf32> to vector<16xf32>
      %add3A_638 = arith.addf %scan3A_328, %get3A_637 : vector<16xf32>
      %mul3A_639 = arith.constant 8 : i32
      %mul3A_640 = arith.muli %scan3A_324, %mul3A_639 : i32
      %add3A_641 = arith.constant 1 : i32
      %add3A_642 = arith.addi %mul3A_640, %add3A_641 : i32
      %get3A_643 = arith.index_cast %add3A_642 : i32 to index
      %get3A_644 = arith.constant 48 : index
      %get3A_645 = tpu.vector_load %arg6[%get3A_643, %get3A_644] {strides = array<i32>} : memref<200x128xf32, #tpu.memory_space<vmem>>, vector<1x16xf32>,
      %get3A_646 = vector.shape_cast %get3A_645 : vector<1x16xf32> to vector<16xf32>
      %add3A_647 = arith.addf %add3A_638, %get3A_646 : vector<16xf32>
      %mul3A_648 = arith.constant 8 : i32
      %mul3A_649 = arith.muli %scan3A_324, %mul3A_648 : i32
      %add3A_650 = arith.constant 2 : i32
      %add3A_651 = arith.addi %mul3A_649, %add3A_650 : i32
      %get3A_652 = arith.index_cast %add3A_651 : i32 to index
      %get3A_653 = arith.constant 48 : index
      %get3A_654 = tpu.vector_load %arg6[%get3A_652, %get3A_653] {strides = array<i32>} : memref<200x128xf32, #tpu.memory_space<vmem>>, vector<1x16xf32>,
      %get3A_655 = vector.shape_cast %get3A_654 : vector<1x16xf32> to vector<16xf32>
      %add3A_656 = arith.addf %add3A_647, %get3A_655 : vector<16xf32>
      %mul3A_657 = arith.constant 8 : i32
      %mul3A_658 = arith.muli %scan3A_324, %mul3A_657 : i32
      %add3A_659 = arith.constant 3 : i32
      %add3A_660 = arith.addi %mul3A_658, %add3A_659 : i32
      %get3A_661 = arith.index_cast %add3A_660 : i32 to index
      %get3A_662 = arith.constant 48 : index
      %get3A_663 = tpu.vector_load %arg6[%get3A_661, %get3A_662] {strides = array<i32>} : memref<200x128xf32, #tpu.memory_space<vmem>>, vector<1x16xf32>,
      %get3A_664 = vector.shape_cast %get3A_663 : vector<1x16xf32> to vector<16xf32>
      %add3A_665 = arith.addf %add3A_656, %get3A_664 : vector<16xf32>
      %mul3A_666 = arith.constant 8 : i32
      %mul3A_667 = arith.muli %scan3A_324, %mul3A_666 : i32
      %add3A_668 = arith.constant 4 : i32
      %add3A_669 = arith.addi %mul3A_667, %add3A_668 : i32
      %get3A_670 = arith.index_cast %add3A_669 : i32 to index
      %get3A_671 = arith.constant 48 : index
      %get3A_672 = tpu.vector_load %arg6[%get3A_670, %get3A_671] {strides = array<i32>} : memref<200x128xf32, #tpu.memory_space<vmem>>, vector<1x16xf32>,
      %get3A_673 = vector.shape_cast %get3A_672 : vector<1x16xf32> to vector<16xf32>
      %add3A_674 = arith.addf %add3A_665, %get3A_673 : vector<16xf32>
      %mul3A_675 = arith.constant 8 : i32
      %mul3A_676 = arith.muli %scan3A_324, %mul3A_675 : i32
      %add3A_677 = arith.constant 5 : i32
      %add3A_678 = arith.addi %mul3A_676, %add3A_677 : i32
      %get3A_679 = arith.index_cast %add3A_678 : i32 to index
      %get3A_680 = arith.constant 48 : index
      %get3A_681 = tpu.vector_load %arg6[%get3A_679, %get3A_680] {strides = array<i32>} : memref<200x128xf32, #tpu.memory_space<vmem>>, vector<1x16xf32>,
      %get3A_682 = vector.shape_cast %get3A_681 : vector<1x16xf32> to vector<16xf32>
      %add3A_683 = arith.addf %add3A_674, %get3A_682 : vector<16xf32>
      %mul3A_684 = arith.constant 8 : i32
      %mul3A_685 = arith.muli %scan3A_324, %mul3A_684 : i32
      %add3A_686 = arith.constant 6 : i32
      %add3A_687 = arith.addi %mul3A_685, %add3A_686 : i32
      %get3A_688 = arith.index_cast %add3A_687 : i32 to index
      %get3A_689 = arith.constant 48 : index
      %get3A_690 = tpu.vector_load %arg6[%get3A_688, %get3A_689] {strides = array<i32>} : memref<200x128xf32, #tpu.memory_space<vmem>>, vector<1x16xf32>,
      %get3A_691 = vector.shape_cast %get3A_690 : vector<1x16xf32> to vector<16xf32>
      %add3A_692 = arith.addf %add3A_683, %get3A_691 : vector<16xf32>
      %mul3A_693 = arith.constant 8 : i32
      %mul3A_694 = arith.muli %scan3A_324, %mul3A_693 : i32
      %add3A_695 = arith.constant 7 : i32
      %add3A_696 = arith.addi %mul3A_694, %add3A_695 : i32
      %get3A_697 = arith.index_cast %add3A_696 : i32 to index
      %get3A_698 = arith.constant 48 : index
      %get3A_699 = tpu.vector_load %arg6[%get3A_697, %get3A_698] {strides = array<i32>} : memref<200x128xf32, #tpu.memory_space<vmem>>, vector<1x16xf32>,
      %get3A_700 = vector.shape_cast %get3A_699 : vector<1x16xf32> to vector<16xf32>
      %add3A_701 = arith.addf %add3A_692, %get3A_700 : vector<16xf32>
      %mul3A_702 = arith.constant 8 : i32
      %mul3A_703 = arith.muli %scan3A_324, %mul3A_702 : i32
      %add3A_704 = arith.constant 0 : i32
      %add3A_705 = arith.addi %mul3A_703, %add3A_704 : i32
      %get3A_706 = arith.index_cast %add3A_705 : i32 to index
      %get3A_707 = arith.constant 64 : index
      %get3A_708 = tpu.vector_load %arg6[%get3A_706, %get3A_707] {strides = array<i32>} : memref<200x128xf32, #tpu.memory_space<vmem>>, vector<1x16xf32>,
      %get3A_709 = vector.shape_cast %get3A_708 : vector<1x16xf32> to vector<16xf32>
      %add3A_710 = arith.addf %scan3A_329, %get3A_709 : vector<16xf32>
      %mul3A_711 = arith.constant 8 : i32
      %mul3A_712 = arith.muli %scan3A_324, %mul3A_711 : i32
      %add3A_713 = arith.constant 1 : i32
      %add3A_714 = arith.addi %mul3A_712, %add3A_713 : i32
      %get3A_715 = arith.index_cast %add3A_714 : i32 to index
      %get3A_716 = arith.constant 64 : index
      %get3A_717 = tpu.vector_load %arg6[%get3A_715, %get3A_716] {strides = array<i32>} : memref<200x128xf32, #tpu.memory_space<vmem>>, vector<1x16xf32>,
      %get3A_718 = vector.shape_cast %get3A_717 : vector<1x16xf32> to vector<16xf32>
      %add3A_719 = arith.addf %add3A_710, %get3A_718 : vector<16xf32>
      %mul3A_720 = arith.constant 8 : i32
      %mul3A_721 = arith.muli %scan3A_324, %mul3A_720 : i32
      %add3A_722 = arith.constant 2 : i32
      %add3A_723 = arith.addi %mul3A_721, %add3A_722 : i32
      %get3A_724 = arith.index_cast %add3A_723 : i32 to index
      %get3A_725 = arith.constant 64 : index
      %get3A_726 = tpu.vector_load %arg6[%get3A_724, %get3A_725] {strides = array<i32>} : memref<200x128xf32, #tpu.memory_space<vmem>>, vector<1x16xf32>,
      %get3A_727 = vector.shape_cast %get3A_726 : vector<1x16xf32> to vector<16xf32>
      %add3A_728 = arith.addf %add3A_719, %get3A_727 : vector<16xf32>
      %mul3A_729 = arith.constant 8 : i32
      %mul3A_730 = arith.muli %scan3A_324, %mul3A_729 : i32
      %add3A_731 = arith.constant 3 : i32
      %add3A_732 = arith.addi %mul3A_730, %add3A_731 : i32
      %get3A_733 = arith.index_cast %add3A_732 : i32 to index
      %get3A_734 = arith.constant 64 : index
      %get3A_735 = tpu.vector_load %arg6[%get3A_733, %get3A_734] {strides = array<i32>} : memref<200x128xf32, #tpu.memory_space<vmem>>, vector<1x16xf32>,
      %get3A_736 = vector.shape_cast %get3A_735 : vector<1x16xf32> to vector<16xf32>
      %add3A_737 = arith.addf %add3A_728, %get3A_736 : vector<16xf32>
      %mul3A_738 = arith.constant 8 : i32
      %mul3A_739 = arith.muli %scan3A_324, %mul3A_738 : i32
      %add3A_740 = arith.constant 4 : i32
      %add3A_741 = arith.addi %mul3A_739, %add3A_740 : i32
      %get3A_742 = arith.index_cast %add3A_741 : i32 to index
      %get3A_743 = arith.constant 64 : index
      %get3A_744 = tpu.vector_load %arg6[%get3A_742, %get3A_743] {strides = array<i32>} : memref<200x128xf32, #tpu.memory_space<vmem>>, vector<1x16xf32>,
      %get3A_745 = vector.shape_cast %get3A_744 : vector<1x16xf32> to vector<16xf32>
      %add3A_746 = arith.addf %add3A_737, %get3A_745 : vector<16xf32>
      %mul3A_747 = arith.constant 8 : i32
      %mul3A_748 = arith.muli %scan3A_324, %mul3A_747 : i32
      %add3A_749 = arith.constant 5 : i32
      %add3A_750 = arith.addi %mul3A_748, %add3A_749 : i32
      %get3A_751 = arith.index_cast %add3A_750 : i32 to index
      %get3A_752 = arith.constant 64 : index
      %get3A_753 = tpu.vector_load %arg6[%get3A_751, %get3A_752] {strides = array<i32>} : memref<200x128xf32, #tpu.memory_space<vmem>>, vector<1x16xf32>,
      %get3A_754 = vector.shape_cast %get3A_753 : vector<1x16xf32> to vector<16xf32>
      %add3A_755 = arith.addf %add3A_746, %get3A_754 : vector<16xf32>
      %mul3A_756 = arith.constant 8 : i32
      %mul3A_757 = arith.muli %scan3A_324, %mul3A_756 : i32
      %add3A_758 = arith.constant 6 : i32
      %add3A_759 = arith.addi %mul3A_757, %add3A_758 : i32
      %get3A_760 = arith.index_cast %add3A_759 : i32 to index
      %get3A_761 = arith.constant 64 : index
      %get3A_762 = tpu.vector_load %arg6[%get3A_760, %get3A_761] {strides = array<i32>} : memref<200x128xf32, #tpu.memory_space<vmem>>, vector<1x16xf32>,
      %get3A_763 = vector.shape_cast %get3A_762 : vector<1x16xf32> to vector<16xf32>
      %add3A_764 = arith.addf %add3A_755, %get3A_763 : vector<16xf32>
      %mul3A_765 = arith.constant 8 : i32
      %mul3A_766 = arith.muli %scan3A_324, %mul3A_765 : i32
      %add3A_767 = arith.constant 7 : i32
      %add3A_768 = arith.addi %mul3A_766, %add3A_767 : i32
      %get3A_769 = arith.index_cast %add3A_768 : i32 to index
      %get3A_770 = arith.constant 64 : index
      %get3A_771 = tpu.vector_load %arg6[%get3A_769, %get3A_770] {strides = array<i32>} : memref<200x128xf32, #tpu.memory_space<vmem>>, vector<1x16xf32>,
      %get3A_772 = vector.shape_cast %get3A_771 : vector<1x16xf32> to vector<16xf32>
      %add3A_773 = arith.addf %add3A_764, %get3A_772 : vector<16xf32>
      %mul3A_774 = arith.constant 8 : i32
      %mul3A_775 = arith.muli %scan3A_324, %mul3A_774 : i32
      %add3A_776 = arith.constant 0 : i32
      %add3A_777 = arith.addi %mul3A_775, %add3A_776 : i32
      %get3A_778 = arith.index_cast %add3A_777 : i32 to index
      %get3A_779 = arith.constant 80 : index
      %get3A_780 = tpu.vector_load %arg6[%get3A_778, %get3A_779] {strides = array<i32>} : memref<200x128xf32, #tpu.memory_space<vmem>>, vector<1x16xf32>,
      %get3A_781 = vector.shape_cast %get3A_780 : vector<1x16xf32> to vector<16xf32>
      %add3A_782 = arith.addf %scan3A_330, %get3A_781 : vector<16xf32>
      %mul3A_783 = arith.constant 8 : i32
      %mul3A_784 = arith.muli %scan3A_324, %mul3A_783 : i32
      %add3A_785 = arith.constant 1 : i32
      %add3A_786 = arith.addi %mul3A_784, %add3A_785 : i32
      %get3A_787 = arith.index_cast %add3A_786 : i32 to index
      %get3A_788 = arith.constant 80 : index
      %get3A_789 = tpu.vector_load %arg6[%get3A_787, %get3A_788] {strides = array<i32>} : memref<200x128xf32, #tpu.memory_space<vmem>>, vector<1x16xf32>,
      %get3A_790 = vector.shape_cast %get3A_789 : vector<1x16xf32> to vector<16xf32>
      %add3A_791 = arith.addf %add3A_782, %get3A_790 : vector<16xf32>
      %mul3A_792 = arith.constant 8 : i32
      %mul3A_793 = arith.muli %scan3A_324, %mul3A_792 : i32
      %add3A_794 = arith.constant 2 : i32
      %add3A_795 = arith.addi %mul3A_793, %add3A_794 : i32
      %get3A_796 = arith.index_cast %add3A_795 : i32 to index
      %get3A_797 = arith.constant 80 : index
      %get3A_798 = tpu.vector_load %arg6[%get3A_796, %get3A_797] {strides = array<i32>} : memref<200x128xf32, #tpu.memory_space<vmem>>, vector<1x16xf32>,
      %get3A_799 = vector.shape_cast %get3A_798 : vector<1x16xf32> to vector<16xf32>
      %add3A_800 = arith.addf %add3A_791, %get3A_799 : vector<16xf32>
      %mul3A_801 = arith.constant 8 : i32
      %mul3A_802 = arith.muli %scan3A_324, %mul3A_801 : i32
      %add3A_803 = arith.constant 3 : i32
      %add3A_804 = arith.addi %mul3A_802, %add3A_803 : i32
      %get3A_805 = arith.index_cast %add3A_804 : i32 to index
      %get3A_806 = arith.constant 80 : index
      %get3A_807 = tpu.vector_load %arg6[%get3A_805, %get3A_806] {strides = array<i32>} : memref<200x128xf32, #tpu.memory_space<vmem>>, vector<1x16xf32>,
      %get3A_808 = vector.shape_cast %get3A_807 : vector<1x16xf32> to vector<16xf32>
      %add3A_809 = arith.addf %add3A_800, %get3A_808 : vector<16xf32>
      %mul3A_810 = arith.constant 8 : i32
      %mul3A_811 = arith.muli %scan3A_324, %mul3A_810 : i32
      %add3A_812 = arith.constant 4 : i32
      %add3A_813 = arith.addi %mul3A_811, %add3A_812 : i32
      %get3A_814 = arith.index_cast %add3A_813 : i32 to index
      %get3A_815 = arith.constant 80 : index
      %get3A_816 = tpu.vector_load %arg6[%get3A_814, %get3A_815] {strides = array<i32>} : memref<200x128xf32, #tpu.memory_space<vmem>>, vector<1x16xf32>,
      %get3A_817 = vector.shape_cast %get3A_816 : vector<1x16xf32> to vector<16xf32>
      %add3A_818 = arith.addf %add3A_809, %get3A_817 : vector<16xf32>
      %mul3A_819 = arith.constant 8 : i32
      %mul3A_820 = arith.muli %scan3A_324, %mul3A_819 : i32
      %add3A_821 = arith.constant 5 : i32
      %add3A_822 = arith.addi %mul3A_820, %add3A_821 : i32
      %get3A_823 = arith.index_cast %add3A_822 : i32 to index
      %get3A_824 = arith.constant 80 : index
      %get3A_825 = tpu.vector_load %arg6[%get3A_823, %get3A_824] {strides = array<i32>} : memref<200x128xf32, #tpu.memory_space<vmem>>, vector<1x16xf32>,
      %get3A_826 = vector.shape_cast %get3A_825 : vector<1x16xf32> to vector<16xf32>
      %add3A_827 = arith.addf %add3A_818, %get3A_826 : vector<16xf32>
      %mul3A_828 = arith.constant 8 : i32
      %mul3A_829 = arith.muli %scan3A_324, %mul3A_828 : i32
      %add3A_830 = arith.constant 6 : i32
      %add3A_831 = arith.addi %mul3A_829, %add3A_830 : i32
      %get3A_832 = arith.index_cast %add3A_831 : i32 to index
      %get3A_833 = arith.constant 80 : index
      %get3A_834 = tpu.vector_load %arg6[%get3A_832, %get3A_833] {strides = array<i32>} : memref<200x128xf32, #tpu.memory_space<vmem>>, vector<1x16xf32>,
      %get3A_835 = vector.shape_cast %get3A_834 : vector<1x16xf32> to vector<16xf32>
      %add3A_836 = arith.addf %add3A_827, %get3A_835 : vector<16xf32>
      %mul3A_837 = arith.constant 8 : i32
      %mul3A_838 = arith.muli %scan3A_324, %mul3A_837 : i32
      %add3A_839 = arith.constant 7 : i32
      %add3A_840 = arith.addi %mul3A_838, %add3A_839 : i32
      %get3A_841 = arith.index_cast %add3A_840 : i32 to index
      %get3A_842 = arith.constant 80 : index
      %get3A_843 = tpu.vector_load %arg6[%get3A_841, %get3A_842] {strides = array<i32>} : memref<200x128xf32, #tpu.memory_space<vmem>>, vector<1x16xf32>,
      %get3A_844 = vector.shape_cast %get3A_843 : vector<1x16xf32> to vector<16xf32>
      %add3A_845 = arith.addf %add3A_836, %get3A_844 : vector<16xf32>
      %mul3A_846 = arith.constant 8 : i32
      %mul3A_847 = arith.muli %scan3A_324, %mul3A_846 : i32
      %add3A_848 = arith.constant 0 : i32
      %add3A_849 = arith.addi %mul3A_847, %add3A_848 : i32
      %get3A_850 = arith.index_cast %add3A_849 : i32 to index
      %get3A_851 = arith.constant 96 : index
      %get3A_852 = tpu.vector_load %arg6[%get3A_850, %get3A_851] {strides = array<i32>} : memref<200x128xf32, #tpu.memory_space<vmem>>, vector<1x16xf32>,
      %get3A_853 = vector.shape_cast %get3A_852 : vector<1x16xf32> to vector<16xf32>
      %add3A_854 = arith.addf %scan3A_331, %get3A_853 : vector<16xf32>
      %mul3A_855 = arith.constant 8 : i32
      %mul3A_856 = arith.muli %scan3A_324, %mul3A_855 : i32
      %add3A_857 = arith.constant 1 : i32
      %add3A_858 = arith.addi %mul3A_856, %add3A_857 : i32
      %get3A_859 = arith.index_cast %add3A_858 : i32 to index
      %get3A_860 = arith.constant 96 : index
      %get3A_861 = tpu.vector_load %arg6[%get3A_859, %get3A_860] {strides = array<i32>} : memref<200x128xf32, #tpu.memory_space<vmem>>, vector<1x16xf32>,
      %get3A_862 = vector.shape_cast %get3A_861 : vector<1x16xf32> to vector<16xf32>
      %add3A_863 = arith.addf %add3A_854, %get3A_862 : vector<16xf32>
      %mul3A_864 = arith.constant 8 : i32
      %mul3A_865 = arith.muli %scan3A_324, %mul3A_864 : i32
      %add3A_866 = arith.constant 2 : i32
      %add3A_867 = arith.addi %mul3A_865, %add3A_866 : i32
      %get3A_868 = arith.index_cast %add3A_867 : i32 to index
      %get3A_869 = arith.constant 96 : index
      %get3A_870 = tpu.vector_load %arg6[%get3A_868, %get3A_869] {strides = array<i32>} : memref<200x128xf32, #tpu.memory_space<vmem>>, vector<1x16xf32>,
      %get3A_871 = vector.shape_cast %get3A_870 : vector<1x16xf32> to vector<16xf32>
      %add3A_872 = arith.addf %add3A_863, %get3A_871 : vector<16xf32>
      %mul3A_873 = arith.constant 8 : i32
      %mul3A_874 = arith.muli %scan3A_324, %mul3A_873 : i32
      %add3A_875 = arith.constant 3 : i32
      %add3A_876 = arith.addi %mul3A_874, %add3A_875 : i32
      %get3A_877 = arith.index_cast %add3A_876 : i32 to index
      %get3A_878 = arith.constant 96 : index
      %get3A_879 = tpu.vector_load %arg6[%get3A_877, %get3A_878] {strides = array<i32>} : memref<200x128xf32, #tpu.memory_space<vmem>>, vector<1x16xf32>,
      %get3A_880 = vector.shape_cast %get3A_879 : vector<1x16xf32> to vector<16xf32>
      %add3A_881 = arith.addf %add3A_872, %get3A_880 : vector<16xf32>
      %mul3A_882 = arith.constant 8 : i32
      %mul3A_883 = arith.muli %scan3A_324, %mul3A_882 : i32
      %add3A_884 = arith.constant 4 : i32
      %add3A_885 = arith.addi %mul3A_883, %add3A_884 : i32
      %get3A_886 = arith.index_cast %add3A_885 : i32 to index
      %get3A_887 = arith.constant 96 : index
      %get3A_888 = tpu.vector_load %arg6[%get3A_886, %get3A_887] {strides = array<i32>} : memref<200x128xf32, #tpu.memory_space<vmem>>, vector<1x16xf32>,
      %get3A_889 = vector.shape_cast %get3A_888 : vector<1x16xf32> to vector<16xf32>
      %add3A_890 = arith.addf %add3A_881, %get3A_889 : vector<16xf32>
      %mul3A_891 = arith.constant 8 : i32
      %mul3A_892 = arith.muli %scan3A_324, %mul3A_891 : i32
      %add3A_893 = arith.constant 5 : i32
      %add3A_894 = arith.addi %mul3A_892, %add3A_893 : i32
      %get3A_895 = arith.index_cast %add3A_894 : i32 to index
      %get3A_896 = arith.constant 96 : index
      %get3A_897 = tpu.vector_load %arg6[%get3A_895, %get3A_896] {strides = array<i32>} : memref<200x128xf32, #tpu.memory_space<vmem>>, vector<1x16xf32>,
      %get3A_898 = vector.shape_cast %get3A_897 : vector<1x16xf32> to vector<16xf32>
      %add3A_899 = arith.addf %add3A_890, %get3A_898 : vector<16xf32>
      %mul3A_900 = arith.constant 8 : i32
      %mul3A_901 = arith.muli %scan3A_324, %mul3A_900 : i32
      %add3A_902 = arith.constant 6 : i32
      %add3A_903 = arith.addi %mul3A_901, %add3A_902 : i32
      %get3A_904 = arith.index_cast %add3A_903 : i32 to index
      %get3A_905 = arith.constant 96 : index
      %get3A_906 = tpu.vector_load %arg6[%get3A_904, %get3A_905] {strides = array<i32>} : memref<200x128xf32, #tpu.memory_space<vmem>>, vector<1x16xf32>,
      %get3A_907 = vector.shape_cast %get3A_906 : vector<1x16xf32> to vector<16xf32>
      %add3A_908 = arith.addf %add3A_899, %get3A_907 : vector<16xf32>
      %mul3A_909 = arith.constant 8 : i32
      %mul3A_910 = arith.muli %scan3A_324, %mul3A_909 : i32
      %add3A_911 = arith.constant 7 : i32
      %add3A_912 = arith.addi %mul3A_910, %add3A_911 : i32
      %get3A_913 = arith.index_cast %add3A_912 : i32 to index
      %get3A_914 = arith.constant 96 : index
      %get3A_915 = tpu.vector_load %arg6[%get3A_913, %get3A_914] {strides = array<i32>} : memref<200x128xf32, #tpu.memory_space<vmem>>, vector<1x16xf32>,
      %get3A_916 = vector.shape_cast %get3A_915 : vector<1x16xf32> to vector<16xf32>
      %add3A_917 = arith.addf %add3A_908, %get3A_916 : vector<16xf32>
      %mul3A_918 = arith.constant 8 : i32
      %mul3A_919 = arith.muli %scan3A_324, %mul3A_918 : i32
      %add3A_920 = arith.constant 0 : i32
      %add3A_921 = arith.addi %mul3A_919, %add3A_920 : i32
      %get3A_922 = arith.index_cast %add3A_921 : i32 to index
      %get3A_923 = arith.constant 112 : index
      %get3A_924 = tpu.vector_load %arg6[%get3A_922, %get3A_923] {strides = array<i32>} : memref<200x128xf32, #tpu.memory_space<vmem>>, vector<1x16xf32>,
      %get3A_925 = vector.shape_cast %get3A_924 : vector<1x16xf32> to vector<16xf32>
      %add3A_926 = arith.addf %scan3A_332, %get3A_925 : vector<16xf32>
      %mul3A_927 = arith.constant 8 : i32
      %mul3A_928 = arith.muli %scan3A_324, %mul3A_927 : i32
      %add3A_929 = arith.constant 1 : i32
      %add3A_930 = arith.addi %mul3A_928, %add3A_929 : i32
      %get3A_931 = arith.index_cast %add3A_930 : i32 to index
      %get3A_932 = arith.constant 112 : index
      %get3A_933 = tpu.vector_load %arg6[%get3A_931, %get3A_932] {strides = array<i32>} : memref<200x128xf32, #tpu.memory_space<vmem>>, vector<1x16xf32>,
      %get3A_934 = vector.shape_cast %get3A_933 : vector<1x16xf32> to vector<16xf32>
      %add3A_935 = arith.addf %add3A_926, %get3A_934 : vector<16xf32>
      %mul3A_936 = arith.constant 8 : i32
      %mul3A_937 = arith.muli %scan3A_324, %mul3A_936 : i32
      %add3A_938 = arith.constant 2 : i32
      %add3A_939 = arith.addi %mul3A_937, %add3A_938 : i32
      %get3A_940 = arith.index_cast %add3A_939 : i32 to index
      %get3A_941 = arith.constant 112 : index
      %get3A_942 = tpu.vector_load %arg6[%get3A_940, %get3A_941] {strides = array<i32>} : memref<200x128xf32, #tpu.memory_space<vmem>>, vector<1x16xf32>,
      %get3A_943 = vector.shape_cast %get3A_942 : vector<1x16xf32> to vector<16xf32>
      %add3A_944 = arith.addf %add3A_935, %get3A_943 : vector<16xf32>
      %mul3A_945 = arith.constant 8 : i32
      %mul3A_946 = arith.muli %scan3A_324, %mul3A_945 : i32
      %add3A_947 = arith.constant 3 : i32
      %add3A_948 = arith.addi %mul3A_946, %add3A_947 : i32
      %get3A_949 = arith.index_cast %add3A_948 : i32 to index
      %get3A_950 = arith.constant 112 : index
      %get3A_951 = tpu.vector_load %arg6[%get3A_949, %get3A_950] {strides = array<i32>} : memref<200x128xf32, #tpu.memory_space<vmem>>, vector<1x16xf32>,
      %get3A_952 = vector.shape_cast %get3A_951 : vector<1x16xf32> to vector<16xf32>
      %add3A_953 = arith.addf %add3A_944, %get3A_952 : vector<16xf32>
      %mul3A_954 = arith.constant 8 : i32
      %mul3A_955 = arith.muli %scan3A_324, %mul3A_954 : i32
      %add3A_956 = arith.constant 4 : i32
      %add3A_957 = arith.addi %mul3A_955, %add3A_956 : i32
      %get3A_958 = arith.index_cast %add3A_957 : i32 to index
      %get3A_959 = arith.constant 112 : index
      %get3A_960 = tpu.vector_load %arg6[%get3A_958, %get3A_959] {strides = array<i32>} : memref<200x128xf32, #tpu.memory_space<vmem>>, vector<1x16xf32>,
      %get3A_961 = vector.shape_cast %get3A_960 : vector<1x16xf32> to vector<16xf32>
      %add3A_962 = arith.addf %add3A_953, %get3A_961 : vector<16xf32>
      %mul3A_963 = arith.constant 8 : i32
      %mul3A_964 = arith.muli %scan3A_324, %mul3A_963 : i32
      %add3A_965 = arith.constant 5 : i32
      %add3A_966 = arith.addi %mul3A_964, %add3A_965 : i32
      %get3A_967 = arith.index_cast %add3A_966 : i32 to index
      %get3A_968 = arith.constant 112 : index
      %get3A_969 = tpu.vector_load %arg6[%get3A_967, %get3A_968] {strides = array<i32>} : memref<200x128xf32, #tpu.memory_space<vmem>>, vector<1x16xf32>,
      %get3A_970 = vector.shape_cast %get3A_969 : vector<1x16xf32> to vector<16xf32>
      %add3A_971 = arith.addf %add3A_962, %get3A_970 : vector<16xf32>
      %mul3A_972 = arith.constant 8 : i32
      %mul3A_973 = arith.muli %scan3A_324, %mul3A_972 : i32
      %add3A_974 = arith.constant 6 : i32
      %add3A_975 = arith.addi %mul3A_973, %add3A_974 : i32
      %get3A_976 = arith.index_cast %add3A_975 : i32 to index
      %get3A_977 = arith.constant 112 : index
      %get3A_978 = tpu.vector_load %arg6[%get3A_976, %get3A_977] {strides = array<i32>} : memref<200x128xf32, #tpu.memory_space<vmem>>, vector<1x16xf32>,
      %get3A_979 = vector.shape_cast %get3A_978 : vector<1x16xf32> to vector<16xf32>
      %add3A_980 = arith.addf %add3A_971, %get3A_979 : vector<16xf32>
      %mul3A_981 = arith.constant 8 : i32
      %mul3A_982 = arith.muli %scan3A_324, %mul3A_981 : i32
      %add3A_983 = arith.constant 7 : i32
      %add3A_984 = arith.addi %mul3A_982, %add3A_983 : i32
      %get3A_985 = arith.index_cast %add3A_984 : i32 to index
      %get3A_986 = arith.constant 112 : index
      %get3A_987 = tpu.vector_load %arg6[%get3A_985, %get3A_986] {strides = array<i32>} : memref<200x128xf32, #tpu.memory_space<vmem>>, vector<1x16xf32>,
      %get3A_988 = vector.shape_cast %get3A_987 : vector<1x16xf32> to vector<16xf32>
      %add3A_989 = arith.addf %add3A_980, %get3A_988 : vector<16xf32>
      scf.yield %add3A_485, %add3A_557, %add3A_629, %add3A_701, %add3A_773, %add3A_845, %add3A_917, %add3A_989 : vector<16xf32>, vector<16xf32>, vector<16xf32>, vector<16xf32>, vector<16xf32>, vector<16xf32>, vector<16xf32>, vector<16xf32>
    }
    %scan3A_268 = arith.constant 25 : i32
    %mul3A_269 = arith.constant 5.000000e-03 : f32
    %mul3A_270 = vector.broadcast %mul3A_269 : f32 to vector<16xf32>
    %mul3A_271 = arith.mulf %scan3A_267#0, %mul3A_270 : vector<16xf32>
    %swap3A = arith.constant 0 : index
    %swap3A_272 = tpu.vector_load %arg7[%swap3A] {strides = array<i32>} : memref<128xf32, #tpu.memory_space<vmem>>, vector<16xf32>,
    %swap3A_273 = vector.shape_cast %swap3A_272 : vector<16xf32> to vector<16xf32>
    %swap3A_274 = vector.shape_cast %mul3A_271 : vector<16xf32> to vector<16xf32>
    tpu.vector_store %arg7[%swap3A], %swap3A_274 {strides = array<i32>} : memref<128xf32, #tpu.memory_space<vmem>>, vector<16xf32>,
    %mul3A_275 = arith.constant 5.000000e-03 : f32
    %mul3A_276 = vector.broadcast %mul3A_275 : f32 to vector<16xf32>
    %mul3A_277 = arith.mulf %scan3A_267#1, %mul3A_276 : vector<16xf32>
    %swap3A_278 = arith.constant 16 : index
    %swap3A_279 = tpu.vector_load %arg7[%swap3A_278] {strides = array<i32>} : memref<128xf32, #tpu.memory_space<vmem>>, vector<16xf32>,
    %swap3A_280 = vector.shape_cast %swap3A_279 : vector<16xf32> to vector<16xf32>
    %swap3A_281 = vector.shape_cast %mul3A_277 : vector<16xf32> to vector<16xf32>
    tpu.vector_store %arg7[%swap3A_278], %swap3A_281 {strides = array<i32>} : memref<128xf32, #tpu.memory_space<vmem>>, vector<16xf32>,
    %mul3A_282 = arith.constant 5.000000e-03 : f32
    %mul3A_283 = vector.broadcast %mul3A_282 : f32 to vector<16xf32>
    %mul3A_284 = arith.mulf %scan3A_267#2, %mul3A_283 : vector<16xf32>
    %swap3A_285 = arith.constant 32 : index
    %swap3A_286 = tpu.vector_load %arg7[%swap3A_285] {strides = array<i32>} : memref<128xf32, #tpu.memory_space<vmem>>, vector<16xf32>,
    %swap3A_287 = vector.shape_cast %swap3A_286 : vector<16xf32> to vector<16xf32>
    %swap3A_288 = vector.shape_cast %mul3A_284 : vector<16xf32> to vector<16xf32>
    tpu.vector_store %arg7[%swap3A_285], %swap3A_288 {strides = array<i32>} : memref<128xf32, #tpu.memory_space<vmem>>, vector<16xf32>,
    %mul3A_289 = arith.constant 5.000000e-03 : f32
    %mul3A_290 = vector.broadcast %mul3A_289 : f32 to vector<16xf32>
    %mul3A_291 = arith.mulf %scan3A_267#3, %mul3A_290 : vector<16xf32>
    %swap3A_292 = arith.constant 48 : index
    %swap3A_293 = tpu.vector_load %arg7[%swap3A_292] {strides = array<i32>} : memref<128xf32, #tpu.memory_space<vmem>>, vector<16xf32>,
    %swap3A_294 = vector.shape_cast %swap3A_293 : vector<16xf32> to vector<16xf32>
    %swap3A_295 = vector.shape_cast %mul3A_291 : vector<16xf32> to vector<16xf32>
    tpu.vector_store %arg7[%swap3A_292], %swap3A_295 {strides = array<i32>} : memref<128xf32, #tpu.memory_space<vmem>>, vector<16xf32>,
    %mul3A_296 = arith.constant 5.000000e-03 : f32
    %mul3A_297 = vector.broadcast %mul3A_296 : f32 to vector<16xf32>
    %mul3A_298 = arith.mulf %scan3A_267#4, %mul3A_297 : vector<16xf32>
    %swap3A_299 = arith.constant 64 : index
    %swap3A_300 = tpu.vector_load %arg7[%swap3A_299] {strides = array<i32>} : memref<128xf32, #tpu.memory_space<vmem>>, vector<16xf32>,
    %swap3A_301 = vector.shape_cast %swap3A_300 : vector<16xf32> to vector<16xf32>
    %swap3A_302 = vector.shape_cast %mul3A_298 : vector<16xf32> to vector<16xf32>
    tpu.vector_store %arg7[%swap3A_299], %swap3A_302 {strides = array<i32>} : memref<128xf32, #tpu.memory_space<vmem>>, vector<16xf32>,
    %mul3A_303 = arith.constant 5.000000e-03 : f32
    %mul3A_304 = vector.broadcast %mul3A_303 : f32 to vector<16xf32>
    %mul3A_305 = arith.mulf %scan3A_267#5, %mul3A_304 : vector<16xf32>
    %swap3A_306 = arith.constant 80 : index
    %swap3A_307 = tpu.vector_load %arg7[%swap3A_306] {strides = array<i32>} : memref<128xf32, #tpu.memory_space<vmem>>, vector<16xf32>,
    %swap3A_308 = vector.shape_cast %swap3A_307 : vector<16xf32> to vector<16xf32>
    %swap3A_309 = vector.shape_cast %mul3A_305 : vector<16xf32> to vector<16xf32>
    tpu.vector_store %arg7[%swap3A_306], %swap3A_309 {strides = array<i32>} : memref<128xf32, #tpu.memory_space<vmem>>, vector<16xf32>,
    %mul3A_310 = arith.constant 5.000000e-03 : f32
    %mul3A_311 = vector.broadcast %mul3A_310 : f32 to vector<16xf32>
    %mul3A_312 = arith.mulf %scan3A_267#6, %mul3A_311 : vector<16xf32>
    %swap3A_313 = arith.constant 96 : index
    %swap3A_314 = tpu.vector_load %arg7[%swap3A_313] {strides = array<i32>} : memref<128xf32, #tpu.memory_space<vmem>>, vector<16xf32>,
    %swap3A_315 = vector.shape_cast %swap3A_314 : vector<16xf32> to vector<16xf32>
    %swap3A_316 = vector.shape_cast %mul3A_312 : vector<16xf32> to vector<16xf32>
    tpu.vector_store %arg7[%swap3A_313], %swap3A_316 {strides = array<i32>} : memref<128xf32, #tpu.memory_space<vmem>>, vector<16xf32>,
    %mul3A_317 = arith.constant 5.000000e-03 : f32
    %mul3A_318 = vector.broadcast %mul3A_317 : f32 to vector<16xf32>
    %mul3A_319 = arith.mulf %scan3A_267#7, %mul3A_318 : vector<16xf32>
    %swap3A_320 = arith.constant 112 : index
    %swap3A_321 = tpu.vector_load %arg7[%swap3A_320] {strides = array<i32>} : memref<128xf32, #tpu.memory_space<vmem>>, vector<16xf32>,
    %swap3A_322 = vector.shape_cast %swap3A_321 : vector<16xf32> to vector<16xf32>
    %swap3A_323 = vector.shape_cast %mul3A_319 : vector<16xf32> to vector<16xf32>
    tpu.vector_store %arg7[%swap3A_320], %swap3A_323 {strides = array<i32>} : memref<128xf32, #tpu.memory_space<vmem>>, vector<16xf32>,
    "tpu.region"() ({
      %run_scoped3A = tpu.sem_alloc : memref<!tpu.dma_semaphore, #tpu.memory_space<semaphore_mem>>
      %dma_start3A_324 = tpu.memref_slice %arg4[%mul3A_2] : memref<4096xf32, #tpu.memory_space<hbm>> -> memref<128xf32, #tpu.memory_space<hbm>>
      %dma_start3A_325 = tpu.memref_slice %arg4[%mul3A_2] : memref<4096xf32, #tpu.memory_space<hbm>> -> memref<128xf32, #tpu.memory_space<hbm>>
      tpu.enqueue_dma source(%arg7 : memref<128xf32, #tpu.memory_space<vmem>>) target(%dma_start3A_325 : memref<128xf32, #tpu.memory_space<hbm>>) target_semaphore(%run_scoped3A : memref<!tpu.dma_semaphore, #tpu.memory_space<semaphore_mem>>)
      %dma_wait3A_326 = tpu.memref_slice %arg4[%mul3A_2] : memref<4096xf32, #tpu.memory_space<hbm>> -> memref<128xf32, #tpu.memory_space<hbm>>
      %dma_wait3A_327 = tpu.memref_slice %arg4[%mul3A_2] : memref<4096xf32, #tpu.memory_space<hbm>> -> memref<128xf32, #tpu.memory_space<hbm>>
      tpu.wait_dma2 semaphore(%run_scoped3A : memref<!tpu.dma_semaphore, #tpu.memory_space<semaphore_mem>>) src(%arg7 : memref<128xf32, #tpu.memory_space<vmem>>) dst(%dma_wait3A_327 : memref<128xf32, #tpu.memory_space<hbm>>)
      tpu.yield
    }) : () -> ()
    return
  }
}

module attributes {stable_mosaic.version = 14 : i64} {
  func.func @_proj_body(%arg0: i32, %arg1: memref<64x32768xf32, #tpu.memory_space<vmem>>, %arg2: memref<1x64xf32, #tpu.memory_space<vmem>>, %arg3: memref<1x1xf32, #tpu.memory_space<vmem>>, %arg4: memref<1x32768xf32, #tpu.memory_space<vmem>>) attributes {dimension_semantics = [#tpu.dimension_semantics<arbitrary>], iteration_bounds = array<i64: 31>, scalar_prefetch = 0 : i64, scratch_operands = 0 : i64, tpu.core_type = #tpu.core_type<tc>, window_params = [{transform_indices = @transform_0, window_bounds = array<i64: 64, 32768>}, {pipeline_mode = #tpu.pipeline_mode<synchronous>, transform_indices = @transform_1, window_bounds = array<i64: 1, 64>}, {pipeline_mode = #tpu.pipeline_mode<synchronous>, transform_indices = @transform_2, window_bounds = array<i64: 1, 1>}, {transform_indices = @transform_3, window_bounds = array<i64: 1, 32768>}]} {
    %get3A = arith.constant 0 : index
    %get3A_0 = arith.constant 0 : index
    %get3A_1 = vector.load %arg1[%get3A, %get3A_0] : memref<64x32768xf32, #tpu.memory_space<vmem>>, vector<64x32768xf32>
    %get3A_2 = arith.constant 0 : index
    %get3A_3 = arith.constant 0 : index
    %get3A_4 = vector.load %arg2[%get3A_2, %get3A_3] : memref<1x64xf32, #tpu.memory_space<vmem>>, vector<1x64xf32>
    %dot_general3A = arith.constant dense<0.000000e+00> : vector<1x32768xf32>
    %dot_general3A_5 = tpu.matmul %get3A_4, %get3A_1, %dot_general3A {dimension_numbers = #tpu.dot_dimension_numbers<[1], [0], [0], [1], [0, 0, 1, 1], [], []>, transpose_lhs_hint = false} : vector<1x64xf32>, vector<64x32768xf32>, vector<1x32768xf32> -> vector<1x32768xf32>
    %iota3A = tpu.iota {dimensions = array<i32: 1>} : vector<1x32768xi32>
    %mul3A = arith.constant 32768 : i32
    %mul3A_6 = arith.muli %arg0, %mul3A : i32
    %add3A = vector.broadcast %mul3A_6 : i32 to vector<1x32768xi32>
    %add3A_7 = arith.addi %iota3A, %add3A : vector<1x32768xi32>
    %eq3A = arith.constant 0 : i32
    %eq3A_8 = vector.broadcast %eq3A : i32 to vector<1x32768xi32>
    %eq3A_9 = arith.cmpi eq, %add3A_7, %eq3A_8 : vector<1x32768xi32>
    %jit3A = arith.constant 0.000000e+00 : f32
    %broadcast_in_dim3A = vector.broadcast %jit3A : f32 to vector<1x32768xf32>
    %select_n3A = arith.select %eq3A_9, %broadcast_in_dim3A, %dot_general3A_5 : vector<1x32768xi1>, vector<1x32768xf32>
    %get3A_10 = arith.constant 0 : index
    %get3A_11 = arith.constant 0 : index
    %get3A_12 = vector.load %arg3[%get3A_10, %get3A_11] : memref<1x1xf32, #tpu.memory_space<vmem>>, vector<1x1xf32>
    %get3A_13 = vector.extract %get3A_12[0, 0] : f32 from vector<1x1xf32>
    %add3A_14 = vector.broadcast %get3A_13 : f32 to vector<1x32768xf32>
    %add3A_15 = arith.addf %select_n3A, %add3A_14 : vector<1x32768xf32>
    %swap3A = arith.constant 0 : index
    %swap3A_16 = arith.constant 0 : index
    %swap3A_17 = vector.load %arg4[%swap3A, %swap3A_16] : memref<1x32768xf32, #tpu.memory_space<vmem>>, vector<1x32768xf32>
    tpu.vector_store %arg4[%swap3A, %swap3A_16], %add3A_15 {strides = array<i32>} : memref<1x32768xf32, #tpu.memory_space<vmem>>, vector<1x32768xf32>,
    return
  }
  func.func @transform_0(%arg0: i32) -> (i32, i32) {
    %c0_i32 = arith.constant 0 : i32
    %c0_i32_0 = arith.constant 0 : i32
    return %c0_i32, %arg0 : i32, i32
  }
  func.func @transform_1(%arg0: i32) -> (i32, i32) {
    %c0_i32 = arith.constant 0 : i32
    %c0_i32_0 = arith.constant 0 : i32
    %c0_i32_1 = arith.constant 0 : i32
    return %c0_i32, %c0_i32_0 : i32, i32
  }
  func.func @transform_2(%arg0: i32) -> (i32, i32) {
    %c0_i32 = arith.constant 0 : i32
    %c0_i32_0 = arith.constant 0 : i32
    %c0_i32_1 = arith.constant 0 : i32
    return %c0_i32, %c0_i32_0 : i32, i32
  }
  func.func @transform_3(%arg0: i32) -> (i32, i32) {
    %c0_i32 = arith.constant 0 : i32
    %c0_i32_0 = arith.constant 0 : i32
    return %c0_i32, %arg0 : i32, i32
  }
}

</mosaic_0001>

<sc_bundles>
// kernel: kernel.4.cloned.1.call-start
scs
__scs_entry_jumppad:
0x0: {  	(pc) =	sbr.rel $0x88, $3  }
0x1: {  	(tag) =	ssettag $0x0;
	lr =	simm.s32 $0x1  }
0x2: {  	[smem:$0x3F9D] =	sst lr;
	_ =	strace $0xD0000000  }
0x3: {  	_ = 	snop  }
0x4: {  	_ = 	snop  }
0x5: {  	_ = 	snop  }
0x6: {  	_ = 	snop  }
0x7: {  	_ = 	snop  }
__scs_overlays_trampoline_lowered:
0x8: {  	[smem:$0x3FAC] =	sst s0  }
0x9: {  	[smem:$0x3FAD] =	sst s1  }
0xa: {  	[smem:$0x3FAE] =	sst s2  }
0xb: {  	[smem:$0x3FAF] =	sst s3  }
0xc: {  	[smem:$0x3FB0] =	sst s4  }
0xd: {  	[smem:$0x3FB1] =	sst s5  }
0xe: {  	[smem:$0x3FB2] =	sst s6  }
0xf: {  	[smem:$0x3FB3] =	sst s7  }
0x10: {  	[smem:$0x3FB4] =	sst s8  }
0x11: {  	[smem:$0x3FB5] =	sst s9;
	s0 =	simm.s32 @!p0 $0x0  }
0x12: {  	s1 =	sld [smem:$0x3F9B];
	s0 =	simm.s32 @p0 $0x1  }
0x13: {  	[smem:$0x3FB6] =	sst s0;
	s0 =	simm.s32 @!p1 $0x0  }
0x14: {  	s2 =	sld [smem:$0x3F9A];
	s0 =	simm.s32 @p1 $0x1  }
0x15: {  	[smem:$0x3FB7] =	sst s0;
	s0 =	simm.s32 @!p2 $0x0  }
0x16: {  	s3 =	sld [smem:$0x3FDB];
	s0 =	simm.s32 @p2 $0x1  }
0x17: {  	s4 =	simm.s32 $0x1BF5;
	[smem:$0x3FB9] =	sst s0  }
0x18: {  	s0 =	sld [smem:$0x3F9C];
	_ =	swait.ge [sflag:s4], $0x0  }
0x19: {  	s7 =	sld [smem:$0x3F9D]  }
0x1a: {  	s8 =	sadd.s32 $0xFFFFE003, lr  }
0x1b: {  	s9 =	sadd.s32 $0xFFFFFEF7, lr;
	s5 =	simm.s32 $0xFFFFFFFF;
	p2 =	slt.u32 s8, $0xFFFFF086  }
0x1c: {  	p1 =	slt.u32 s9, $0xF7A;
	s5 =	simm.s32 @!p2 $0x0  }
0x1d: {  	s5 =	simm.s32 @p1 $0x1;
	p0 =	seq.s32 s7, s2  }
0x1e: {  	s7 =	smul.u32 @!p0 $0xF7A, s2;
	p2 =	seq.s32 @!p0 s5, $0x0  }
0x1f: {  	s9 =	smul.u32 $0xF7A, s1;
	s8 =	simm.s32 @!p0 $0x1BF5;
	p2 =	por !p2, p0  }
0x20: {  	[sflag:s8] =	ssyncset.s32 @!p0 $0xFFFFF086;
	s6 =	sadd.s32 @!p0 s3, s7;
	s7 =	simm.s32 @!p0 $0x108  }
0x21: {  	s3 =	sadd.s32 s3, s9;
	s6 =	sadd.s32 @!p0 $0x88, s6;
	s7 =	simm.s32 @p2 $0x1082  }
0x22: {  	[simem:s7], [sflag:s8] =	dma.local @!p0 [hbm:s6], $0xF7A  }
0x23: {  	s9 =	sor.u32 $0xD0000000, s2;
	s6 =	simm.s32 $0x108;
	_ =	swait.ge @!p0 [sflag:s8], $0x0  }
0x24: {  	s3 =	sadd.s32 $0x88, s3;
	s6 =	simm.s32 @!p1 $0x1082;
	[sflag:s4] =	ssyncset.s32 $0xFFFFF086  }
0x25: {  	[simem:s6], [sflag:s4] =	dma.local [hbm:s3], $0xF7A  }
0x26: {  	[smem:$0x3F9D] =	sst s1;
	(tag) =	ssettag s2;
	_ =	strace s9  }
0x27: {  	s1 =	sld [smem:$0x3FAD]  }
0x28: {  	s2 =	sld [smem:$0x3FAE]  }
0x29: {  	s4 =	sld [smem:$0x3FB0]  }
0x2a: {  	p0 =	seq.s32 s5, $0x0;
	s5 =	sld [smem:$0x3FB1]  }
0x2b: {  	s6 =	sld [smem:$0x3FB2]  }
0x2c: {  	s7 =	sld [smem:$0x3FB3]  }
0x2d: {  	s3 =	simm.s32 $0x108;
	s8 =	sld [smem:$0x3FB4]  }
0x2e: {  	s3 =	simm.s32 @!p0 $0x1082;
	s9 =	sld [smem:$0x3FB5]  }
0x2f: {  	lr =	sadd.s32 s0, s3;
	s0 =	sld [smem:$0x3FAC]  }
0x30: {  	s3 =	sld [smem:$0x3FAF]  }
0x31: {  	[smem:$0x3FB8] =	sst s10  }
0x32: {  	s10 =	sld [smem:$0x3FB6];
	_ =	sdelay $0x3  }
0x33: {  	p0 =	seq.s32 s10, $0x1;
	s10 =	sld [smem:$0x3FB8];
	_ =	sdelay $0x3  }
0x34: {  	[smem:$0x3FB8] =	sst s10  }
0x35: {  	s10 =	sld [smem:$0x3FB7];
	_ =	sdelay $0x3  }
0x36: {  	p1 =	seq.s32 s10, $0x1;
	s10 =	sld [smem:$0x3FB8];
	_ =	sdelay $0x3  }
0x37: {  	[smem:$0x3FB8] =	sst s10  }
0x38: {  	s10 =	sld [smem:$0x3FB9]  }
0x39: {  	_ = 	snop;
	(pc) =	sbr.ind lr, $3  }
0x3a: {  	_ = 	snop  }
0x3b: {  	_ = 	snop  }
0x3c: {  	p2 =	seq.s32 s10, $0x1;
	s10 =	sld [smem:$0x3FB8]  }
0x3d: {  	_ =	shalt  }
0x3e: {  	_ =	shalt  }
0x3f: {  	_ =	shalt  }
0x40: {  	_ =	shalt  }
0x41: {  	_ =	shalt  }
0x42: {  	_ =	shalt  }
0x43: {  	_ =	shalt  }
0x44: {  	_ =	shalt  }
0x45: {  	_ =	shalt  }
0x46: {  	_ =	shalt  }
0x47: {  	_ =	shalt  }
0x48: {  	_ =	shalt  }
0x49: {  	_ =	shalt  }
0x4a: {  	_ =	shalt  }
0x4b: {  	_ =	shalt  }
0x4c: {  	_ =	shalt  }
0x4d: {  	_ =	shalt  }
0x4e: {  	_ =	shalt  }
0x4f: {  	_ =	shalt  }
0x50: {  	_ =	shalt  }
0x51: {  	_ =	shalt  }
0x52: {  	_ =	shalt  }
0x53: {  	_ =	shalt  }
0x54: {  	_ =	shalt  }
0x55: {  	_ =	shalt  }
0x56: {  	_ =	shalt  }
0x57: {  	_ =	shalt  }
0x58: {  	_ =	shalt  }
0x59: {  	_ =	shalt  }
0x5a: {  	_ =	shalt  }
0x5b: {  	_ =	shalt  }
0x5c: {  	_ =	shalt  }
0x5d: {  	_ =	shalt  }
0x5e: {  	_ =	shalt  }
0x5f: {  	_ =	shalt  }
0x60: {  	_ =	shalt  }
0x61: {  	_ =	shalt  }
0x62: {  	_ =	shalt  }
0x63: {  	_ =	shalt  }
0x64: {  	_ =	shalt  }
0x65: {  	_ =	shalt  }
0x66: {  	_ =	shalt  }
0x67: {  	_ =	shalt  }
0x68: {  	_ =	shalt  }
0x69: {  	_ =	shalt  }
0x6a: {  	_ =	shalt  }
0x6b: {  	_ =	shalt  }
0x6c: {  	_ =	shalt  }
0x6d: {  	_ =	shalt  }
0x6e: {  	_ =	shalt  }
0x6f: {  	_ =	shalt  }
0x70: {  	_ =	shalt  }
0x71: {  	_ =	shalt  }
0x72: {  	_ =	shalt  }
0x73: {  	_ =	shalt  }
0x74: {  	_ =	shalt  }
0x75: {  	_ =	shalt  }
0x76: {  	_ =	shalt  }
0x77: {  	_ =	shalt  }
0x78: {  	_ =	shalt  }
0x79: {  	_ =	shalt  }
0x7a: {  	_ =	shalt  }
0x7b: {  	_ =	shalt  }
0x7c: {  	_ =	shalt  }
0x7d: {  	_ =	shalt  }
0x7e: {  	_ =	shalt  }
0x7f: {  	_ =	shalt  }
0x80: {  	_ =	shalt  }
0x81: {  	_ =	shalt  }
0x82: {  	_ =	shalt  }
0x83: {  	_ =	shalt  }
0x84: {  	_ =	shalt  }
0x85: {  	_ =	shalt  }
0x86: {  	_ =	shalt  }
0x87: {  	_ =	shalt  }
.Lfunc_end0:
.L_simem_size_0:
called_computation_lowered:
.L_overlay_start_0:
0x88: {  	s2 =	sld [smem:$0x3FD9]  }
0x89: {  	s3 =	sld [smem:$0x3FFE];
	_ =	sdelay $0x1  }
0x8a: {  	s1 =	srdreg.scid  }
0x8b: {  	s0 =	sand.u32 $0x1, s1  }
0x8c: {  	s17 =	sshll.u32 s0, $0xA;
	s2 =	sadd.s32 s3, s2  }
0x8d: {  	s2 =	sadd.s32 s2, s17  }
0x8e: {  	[smem:$0x3FC4] =	sst s2  }
0x8f: {  	_ = 	snop  }
0x90: {  	s2 =	sld [smem:$0x3FC9]  }
0x91: {  	s18 =	sld [smem:$0x3FD0];
	(tm) =	ssettm $0x1  }
0x92: {  	s4 =	sld [smem:$0x3FFB];
	_ =	sdelay $0x3  }
0x93: {  	_ =	strace s4  }
0x94: {  	s4 =	sld [smem:$0x3FFC];
	_ =	sdelay $0x3  }
0x95: {  	_ =	strace s4  }
0x96: {  	s4 =	sld [smem:$0x3FFD];
	_ =	sdelay $0x3  }
0x97: {  	_ =	strace s4  }
0x98: {  	_ =	strace $0x8FFFFFFF  }
0x99: {  	s19 =	sld [smem:$0x3FDB];
	_ =	sdelay $0x1  }
0x9a: {  	s5 =	simm.s32 $_scs_section_size  }
0x9b: {  	s6 =	simm.s32 $_size__tile_overlayer_lowered;
	s7 =	simm.s32 $_tile_overlayer_lowered  }
0x9c: {  	s22 =	simm.s32 $0x1BFF;
	s21 =	sshll.u32 s7, $0x1;
	s4 =	sadd.s32 s5, s19  }
0x9d: {  	s8 =	simm.s32 $0x0;
	s20 =	sshll.u32 s6, $0x1;
	s6 =	sadd.s32 s21, s4  }
0x9e: {  	[timem:s8], [sflag:s22] =	dma.local [hbm:s6], s20  }
0x9f: {  	_ =	swait.ge [sflag:s22], s20  }
0xa0: {  	s5 =	ssub.s32 $0x0, s20;
	[sflag:s22] =	ssyncset.done $0x0  }
0xa1: {  	[sflag:s22] =	ssyncadd.s32 s5;
	_ =	sdelay $0x1  }
0xa2: {  	s23 =	simm.s32 $0x1B8B  }
0xa3: {  	_ =	swait.ge [sflag:s23], $0x1  }
0xa4: {  	[sflag:s23] =	ssyncset.done $0x0  }
0xa5: {  	s25 =	simm.s32 $0x1B8E;
	s24 =	sld [smem:$0x3FFE];
	[sflag:s23] =	ssyncadd.s32 $0xFFFFFFFF  }
0xa6: {  	s26 =	simm.s32 $execute0_lowered;
	[smem:$0x3FD2] =	sst s25  }
0xa7: {  	s6 =	sshll.u32 s26, $0x1;
	_ =	strace $0x80000046;
	[dreg:$0x1] =	wrdreg $0xFFFFFFFF  }
0xa8: {  	s28 =	simm.s32 $_size_execute0_lowered;
	s4 =	sadd.s32 s4, s6;
	[dreg:$0x0] =	wrdreg $0x0  }
0xa9: {  	s6 =	sshll.u32 s28, $0x1;
	[dreg:$0x2] =	wrdreg s4  }
0xaa: {  	[dreg:$0x3] =	wrdreg s6  }
0xab: {  	[dreg:$0x4] =	wrdreg $0xC0  }
0xac: {  	_ =	task [dreg:s8], $0x5FFFF  }
0xad: {  	[dreg:$0x1] =	wrdreg $0xFFFFFFFF  }
0xae: {  	[dreg:$0x0] =	wrdreg $0x60  }
0xaf: {  	[dreg:$0x2] =	wrdreg s2  }
0xb0: {  	[dreg:$0x3] =	wrdreg s24  }
0xb1: {  	[dreg:$0x4] =	wrdreg s18  }
0xb2: {  	[dreg:$0x5] =	wrdreg $0xC8800  }
0xb3: {  	[dreg:$0x6] =	wrdreg $0x9  }
0xb4: {  	_ =	task.clear_ibuf [dreg:s8], $0x7FFFF;
	_ =	strace $0x90000046  }
0xb5: {  	s29 =	simm.s32 $0x9;
	_ =	strace $0x80000048  }
0xb6: {  	_ =	swait.ge [sflag:s29], $0x1  }
0xb7: {  	[sflag:s29] =	ssyncadd.s32 $0xFFFFFFFF  }
0xb8: {  	_ =	strace $0x90000048  }
0xb9: {  	_ =	sfence  }
0xba: {  	s30 =	sld [smem:$0x0];
	_ =	sdelay $0x2  }
0xbb: {  	s31 =	sshll.u32 s1, $0xD;
	s1 =	sshrl.u32 s1, $0x2  }
0xbc: {  	s3 =	sand.u32 $0x4000, s31;
	s1 =	sadd.s32 s1, s30  }
0xbd: {  	s0 =	sor.u32 s3, s0;
	s1 =	sshll.u32 s1, $0x11  }
0xbe: {  	s0 =	sor.u32 s1, s0  }
0xbf: {  	s0 =	sadd.s32 $0x8F2B, s0  }
0xc0: {  	[sflag:s0] =	ssyncadd.remote.s32 $0x1  }
0xc1: {  	_ =	sfence.sel $0xFFFF  }
0xc2: {  	[dreg:$0x0] =	wrdreg $0xFFFFFFFF;
	(pc) =	sbr.abs _section_cstart, $3  }
0xc3: {  	[dreg:$0x1] =	wrdreg $0xFFFFFFFF  }
0xc4: {  	_ =	task.clear_ibuf [dreg:s8], $0x2FFFF;
	_ =	strace $0x9FFFFFFF  }
0xc5: {  	(tm) =	ssettm $0x7FFFFFFF  }
tec
execute0_lowered:
.L_overlay_start_1:
0x0: {  	(tag) =	ssettag $0x1  }
0x1: {  	s0 =	rddreg [dreg:$0x0]  }
0x2: {  	s1 =	rddreg [dreg:$0x1]  }
0x3: {  	s7 =	rddreg [dreg:$0x2]  }
0x4: {  	s2 =	rddreg [dreg:$0x3]  }
0x5: {  	s10 =	stileid.u32;
	s5 =	srdreg.scid  }
0x6: {  	s3 =	simm.s32 $0x0;
	s12 =	simm.s32 $0x3;
	s13 =	simm.s32 $0x2  }
0x7: {  	s14 =	simm.s32 $0x80;
	s11 =	simm.s32 $0xA00;
	s15 =	simm.s32 $0x6E00  }
0x8: {  	s16 =	simm.s32 $0xA80;
	s17 =	simm.s32 $0x6E80;
	s18 =	simm.s32 $0xB00  }
0x9: {  	s19 =	simm.s32 $0x6F00;
	s20 =	simm.s32 $0xB80;
	s21 =	simm.s32 $0x6F80  }
0xa: {  	s22 =	simm.s32 $0x1;
	s23 =	simm.s32 $0xC800;
	s24 =	simm.s32 $0x0  }
0xb: {  	s4 =	smul.u32 $0xF800, s10;
	s5 =	sand.u32 $0x1, s5;
	[smem:$0x7FF] =	sst s3  }
0xc: {  	s28 =	sshll.u32 s10, $0x1;
	s29 =	sshll.u32 s10, $0x6;
	s10 =	simm.s32 $0x400  }
0xd: {  	s8 =	ssub.s32 $0x2, s5;
	_ =	strace $0x80000047;
	s6 =	sshrl.u32 s4, $0x3  }
0xe: {  	s26 =	sshrl.u32 s8, $0x1;
	s9 =	sadd.s32 s4, s2;
	s1 =	sadd.s32 s6, s1  }
0xf: {  	s8 =	ssub.s32 s8, s26;
	s6 =	sor.u32 s5, s28;
	s5 =	sor.u32 $0x1C02, s29  }
0x10: {  	s9 =	sshrl.u32 s9, $0x3;
	s4 =	sadd.s32 $0x800, s1;
	s30 =	sshll.u32 s6, $0x7  }
0x11: {  	s31 =	sshll.u32 s6, $0x4;
	s8 =	smax.u32 s8, $0x1;
	s1 =	simm.s32 $0x980  }
0x12: {  	s6 =	sadd.s32 s0, s30;
	s7 =	sadd.s32 s7, s31;
	s0 =	simm.s32 $0x6D80  }
.LBB2_1:
0x13: {  	[spmem:s9], [sflag:s5] =	dma.local [hbm:s4], $0x1F00  }
0x14: {  	s25 =	simm.s32 $0x8000  }
0x15: {  	[tilespmem:s3], [sflag:$0x3] =	stream.strided.gather [hbm4b:s6+s10], $0x6400, s25, s10, $0x38;
	[tilespmem:$0x1C080] =	vst v63  }
0x16: {  	_ =	swait.ge [sflag:s12], $0x6400  }
0x17: {  	[sflag:s12] =	ssyncset.done $0x0  }
0x18: {  	[sflag:s12] =	ssyncadd.s32 $0xFFFF9C00  }
0x19: {  	_ =	swait.ge [sflag:s13], $0x1F00  }
0x1a: {  	[sflag:s13] =	ssyncset.done $0x0  }
0x1b: {  	[sflag:s13] =	ssyncadd.s32 $0xFFFFE100  }
0x1c: {  	s26 =	simm.s32 $0x6400;
	[bflag:$0x0] =	sbarrier.arrive $0xFFFF  }
0x1d: {  	[tilespmem:s26], [sflag:$0x1] =	stream.indirect.gather [spmem:s2], $0x1, s3, s14, $0xb8;
	[tilespmem:$0x1C080] =	vst v63  }
0x1e: {  	s28 =	simm.s32 $0x6480  }
0x1f: {  	[tilespmem:s28], [sflag:$0x1] =	stream.indirect.gather [spmem:s2], $0x1, s14, s14, $0xb8;
	[tilespmem:$0x1C080] =	vst v63  }
0x20: {  	s29 =	simm.s32 $0x100;
	s26 =	simm.s32 $0x6500  }
0x21: {  	[tilespmem:s26], [sflag:$0x1] =	stream.indirect.gather [spmem:s2], $0x1, s29, s14, $0xb8;
	[tilespmem:$0x1C080] =	vst v63  }
0x22: {  	s30 =	simm.s32 $0x180;
	s31 =	simm.s32 $0x6580  }
0x23: {  	[tilespmem:s31], [sflag:$0x1] =	stream.indirect.gather [spmem:s2], $0x1, s30, s14, $0xb8;
	[tilespmem:$0x1C080] =	vst v63  }
0x24: {  	s28 =	simm.s32 $0x200;
	s29 =	simm.s32 $0x6600  }
0x25: {  	[tilespmem:s29], [sflag:$0x1] =	stream.indirect.gather [spmem:s2], $0x1, s28, s14, $0xb8;
	[tilespmem:$0x1C080] =	vst v63  }
0x26: {  	s30 =	simm.s32 $0x280;
	s31 =	simm.s32 $0x6680  }
0x27: {  	[tilespmem:s31], [sflag:$0x1] =	stream.indirect.gather [spmem:s2], $0x1, s30, s14, $0xb8;
	[tilespmem:$0x1C080] =	vst v63  }
0x28: {  	s28 =	simm.s32 $0x300;
	s29 =	simm.s32 $0x6700  }
0x29: {  	[tilespmem:s29], [sflag:$0x1] =	stream.indirect.gather [spmem:s2], $0x1, s28, s14, $0xb8;
	[tilespmem:$0x1C080] =	vst v63  }
0x2a: {  	s30 =	simm.s32 $0x380;
	s31 =	simm.s32 $0x6780  }
0x2b: {  	[tilespmem:s31], [sflag:$0x1] =	stream.indirect.gather [spmem:s2], $0x1, s30, s14, $0xb8;
	[tilespmem:$0x1C080] =	vst v63  }
0x2c: {  	s26 =	simm.s32 $0x6800  }
0x2d: {  	[tilespmem:s26], [sflag:$0x1] =	stream.indirect.gather [spmem:s2], $0x1, s10, s14, $0xb8;
	[tilespmem:$0x1C080] =	vst v63  }
0x2e: {  	s28 =	simm.s32 $0x480;
	s29 =	simm.s32 $0x6880  }
0x2f: {  	[tilespmem:s29], [sflag:$0x1] =	stream.indirect.gather [spmem:s2], $0x1, s28, s14, $0xb8;
	[tilespmem:$0x1C080] =	vst v63  }
0x30: {  	s30 =	simm.s32 $0x500;
	s31 =	simm.s32 $0x6900  }
0x31: {  	[tilespmem:s31], [sflag:$0x1] =	stream.indirect.gather [spmem:s2], $0x1, s30, s14, $0xb8;
	[tilespmem:$0x1C080] =	vst v63  }
0x32: {  	s28 =	simm.s32 $0x580;
	s29 =	simm.s32 $0x6980  }
0x33: {  	[tilespmem:s29], [sflag:$0x1] =	stream.indirect.gather [spmem:s2], $0x1, s28, s14, $0xb8;
	[tilespmem:$0x1C080] =	vst v63  }
0x34: {  	s30 =	simm.s32 $0x600;
	s31 =	simm.s32 $0x6A00  }
0x35: {  	[tilespmem:s31], [sflag:$0x1] =	stream.indirect.gather [spmem:s2], $0x1, s30, s14, $0xb8;
	[tilespmem:$0x1C080] =	vst v63  }
0x36: {  	s28 =	simm.s32 $0x680;
	s29 =	simm.s32 $0x6A80  }
0x37: {  	[tilespmem:s29], [sflag:$0x1] =	stream.indirect.gather [spmem:s2], $0x1, s28, s14, $0xb8;
	[tilespmem:$0x1C080] =	vst v63  }
0x38: {  	s30 =	simm.s32 $0x700;
	s31 =	simm.s32 $0x6B00  }
0x39: {  	[tilespmem:s31], [sflag:$0x1] =	stream.indirect.gather [spmem:s2], $0x1, s30, s14, $0xb8;
	[tilespmem:$0x1C080] =	vst v63  }
0x3a: {  	s28 =	simm.s32 $0x780;
	s29 =	simm.s32 $0x6B80  }
0x3b: {  	[tilespmem:s29], [sflag:$0x1] =	stream.indirect.gather [spmem:s2], $0x1, s28, s14, $0xb8;
	[tilespmem:$0x1C080] =	vst v63  }
0x3c: {  	s30 =	simm.s32 $0x800;
	s31 =	simm.s32 $0x6C00  }
0x3d: {  	[tilespmem:s31], [sflag:$0x1] =	stream.indirect.gather [spmem:s2], $0x1, s30, s14, $0xb8;
	[tilespmem:$0x1C080] =	vst v63  }
0x3e: {  	s28 =	simm.s32 $0x880;
	s29 =	simm.s32 $0x6C80  }
0x3f: {  	[tilespmem:s29], [sflag:$0x1] =	stream.indirect.gather [spmem:s2], $0x1, s28, s14, $0xb8;
	[tilespmem:$0x1C080] =	vst v63  }
0x40: {  	s30 =	simm.s32 $0x900;
	s31 =	simm.s32 $0x6D00  }
0x41: {  	[tilespmem:s31], [sflag:$0x1] =	stream.indirect.gather [spmem:s2], $0x1, s30, s14, $0xb8;
	[tilespmem:$0x1C080] =	vst v63  }
0x42: {  	_ = 	snop  }
0x43: {  	[tilespmem:s0], [sflag:$0x1] =	stream.indirect.gather [spmem:s2], $0x1, s1, s14, $0xb8;
	[tilespmem:$0x1C080] =	vst v63  }
0x44: {  	_ = 	snop  }
0x45: {  	[tilespmem:s15], [sflag:$0x1] =	stream.indirect.gather [spmem:s2], $0x1, s11, s14, $0xb8;
	[tilespmem:$0x1C080] =	vst v63  }
0x46: {  	_ = 	snop  }
0x47: {  	[tilespmem:s17], [sflag:$0x1] =	stream.indirect.gather [spmem:s2], $0x1, s16, s14, $0xb8;
	[tilespmem:$0x1C080] =	vst v63  }
0x48: {  	_ = 	snop  }
0x49: {  	v0 =	vimm.f32 $0.0e+00;
	v1 =	vimm.f32 $0.0e+00;
	[tilespmem:s19], [sflag:$0x1] =	stream.indirect.gather [spmem:s2], $0x1, s18, s14, $0xb8;
	[tilespmem:$0x1C080] =	vst v63  }
0x4a: {  	v2 =	vimm.f32 $0.0e+00;
	v3 =	vimm.f32 $0.0e+00;
	v4 =	vimm.f32 $0.0e+00;
	s25 =	simm.s32 $0x0;
	s26 =	simm.s32 $0x0  }
0x4b: {  	v5 =	vimm.f32 $0.0e+00;
	v6 =	vimm.f32 $0.0e+00;
	v7 =	vimm.f32 $0.0e+00;
	[tilespmem:s21], [sflag:$0x1] =	stream.indirect.gather [spmem:s2], $0x1, s20, s14, $0xb8;
	[tilespmem:$0x1C080] =	vst v63  }
.LBB2_2:
0x4c: {  	p0 =	sgt.u32 s26, $0x15  }
0x4d: {  	s28 =	sshra.s32 @!p0 s25, $0x2  }
0x4e: {  	s31 =	simm.s32 @!p0 $0x80;
	s29 =	sadd.s32 @!p0 $0x7000, s28;
	s30 =	sadd.s32 @!p0 $0xC00, s28  }
0x4f: {  	[tilespmem:s29], [sflag:$0x1] =	stream.indirect.gather @!p0 [spmem:s2], $0x1, s30, s31, $0xb8;
	[tilespmem:$0x1C080] =	vst v63  }
0x50: {  	s29 =	sadd.s32 @!p0 $0x7080, s28;
	s30 =	sadd.s32 @!p0 $0xC80, s28  }
0x51: {  	[tilespmem:s29], [sflag:$0x1] =	stream.indirect.gather @!p0 [spmem:s2], $0x1, s30, s31, $0xb8;
	[tilespmem:$0x1C080] =	vst v63  }
0x52: {  	s29 =	sadd.s32 @!p0 $0x7100, s28;
	s30 =	sadd.s32 @!p0 $0xD00, s28  }
0x53: {  	[tilespmem:s29], [sflag:$0x1] =	stream.indirect.gather @!p0 [spmem:s2], $0x1, s30, s31, $0xb8;
	[tilespmem:$0x1C080] =	vst v63  }
0x54: {  	s29 =	sadd.s32 @!p0 $0x7180, s28;
	s30 =	sadd.s32 @!p0 $0xD80, s28  }
0x55: {  	[tilespmem:s29], [sflag:$0x1] =	stream.indirect.gather @!p0 [spmem:s2], $0x1, s30, s31, $0xb8;
	[tilespmem:$0x1C080] =	vst v63  }
0x56: {  	s29 =	sadd.s32 @!p0 $0x7200, s28;
	s30 =	sadd.s32 @!p0 $0xE00, s28  }
0x57: {  	[tilespmem:s29], [sflag:$0x1] =	stream.indirect.gather @!p0 [spmem:s2], $0x1, s30, s31, $0xb8;
	[tilespmem:$0x1C080] =	vst v63  }
0x58: {  	s29 =	sadd.s32 @!p0 $0x7280, s28;
	s30 =	sadd.s32 @!p0 $0xE80, s28  }
0x59: {  	[tilespmem:s29], [sflag:$0x1] =	stream.indirect.gather @!p0 [spmem:s2], $0x1, s30, s31, $0xb8;
	[tilespmem:$0x1C080] =	vst v63  }
0x5a: {  	s29 =	sadd.s32 @!p0 $0x7300, s28;
	s30 =	sadd.s32 @!p0 $0xF00, s28  }
0x5b: {  	[tilespmem:s29], [sflag:$0x1] =	stream.indirect.gather @!p0 [spmem:s2], $0x1, s30, s31, $0xb8;
	[tilespmem:$0x1C080] =	vst v63  }
0x5c: {  	s29 =	sadd.s32 @!p0 $0x7380, s28;
	s28 =	sadd.s32 @!p0 $0xF80, s28  }
0x5d: {  	[tilespmem:s29], [sflag:$0x1] =	stream.indirect.gather @!p0 [spmem:s2], $0x1, s28, s31, $0xb8;
	[tilespmem:$0x1C080] =	vst v63  }
0x5e: {  	_ =	swait.ge [sflag:s22], $0x80  }
0x5f: {  	[sflag:s22] =	ssyncset.done $0x0  }
0x60: {  	[sflag:s22] =	ssyncadd.s32 $0xFFFFFF80  }
0x61: {  	_ =	swait.ge [sflag:s22], $0x80  }
0x62: {  	[sflag:s22] =	ssyncset.done $0x0  }
0x63: {  	[sflag:s22] =	ssyncadd.s32 $0xFFFFFF80  }
0x64: {  	_ =	swait.ge [sflag:s22], $0x80  }
0x65: {  	[sflag:s22] =	ssyncset.done $0x0  }
0x66: {  	[sflag:s22] =	ssyncadd.s32 $0xFFFFFF80  }
0x67: {  	_ =	swait.ge [sflag:s22], $0x80  }
0x68: {  	[sflag:s22] =	ssyncset.done $0x0  }
0x69: {  	[sflag:s22] =	ssyncadd.s32 $0xFFFFFF80  }
0x6a: {  	_ =	swait.ge [sflag:s22], $0x80  }
0x6b: {  	[sflag:s22] =	ssyncset.done $0x0  }
0x6c: {  	[sflag:s22] =	ssyncadd.s32 $0xFFFFFF80  }
0x6d: {  	_ =	swait.ge [sflag:s22], $0x80  }
0x6e: {  	[sflag:s22] =	ssyncset.done $0x0  }
0x6f: {  	[sflag:s22] =	ssyncadd.s32 $0xFFFFFF80  }
0x70: {  	_ =	swait.ge [sflag:s22], $0x80  }
0x71: {  	[sflag:s22] =	ssyncset.done $0x0  }
0x72: {  	[sflag:s22] =	ssyncadd.s32 $0xFFFFFF80  }
0x73: {  	_ =	swait.ge [sflag:s22], $0x80  }
0x74: {  	[sflag:s22] =	ssyncset.done $0x0  }
0x75: {  	s31 =	sshra.s32 s25, $0x2;
	[sflag:s22] =	ssyncadd.s32 $0xFFFFFF80  }
0x76: {  	v8 =	vld [tilespmem:s31+$0x6400]  }
0x77: {  	v9 =	vld [tilespmem:s31+$0x6480]  }
0x78: {  	v10 =	vld [tilespmem:s31+$0x6500]  }
0x79: {  	v11 =	vld [tilespmem:s31+$0x6580]  }
0x7a: {  	v12 =	vld [tilespmem:s31+$0x6600]  }
0x7b: {  	v13 =	vld [tilespmem:s31+$0x6680]  }
0x7c: {  	v14 =	vld [tilespmem:s31+$0x6700]  }
0x7d: {  	v15 =	vld [tilespmem:s31+$0x6780]  }
0x7e: {  	v16 =	vld [tilespmem:s31+$0x6410]  }
0x7f: {  	v17 =	vld [tilespmem:s31+$0x6490]  }
0x80: {  	v18 =	vld [tilespmem:s31+$0x6510]  }
0x81: {  	v19 =	vld [tilespmem:s31+$0x6590]  }
0x82: {  	v20 =	vld [tilespmem:s31+$0x6610]  }
0x83: {  	v21 =	vld [tilespmem:s31+$0x6690]  }
0x84: {  	v22 =	vld [tilespmem:s31+$0x6710]  }
0x85: {  	v23 =	vld [tilespmem:s31+$0x6790]  }
0x86: {  	v24 =	vld [tilespmem:s31+$0x6420]  }
0x87: {  	v25 =	vld [tilespmem:s31+$0x64A0]  }
0x88: {  	v26 =	vld [tilespmem:s31+$0x6520]  }
0x89: {  	v27 =	vld [tilespmem:s31+$0x65A0]  }
0x8a: {  	v28 =	vld [tilespmem:s31+$0x6620]  }
0x8b: {  	v29 =	vld [tilespmem:s31+$0x66A0]  }
0x8c: {  	v30 =	vld [tilespmem:s31+$0x6720]  }
0x8d: {  	v31 =	vld [tilespmem:s31+$0x67A0]  }
0x8e: {  	v32 =	vld [tilespmem:s31+$0x6430]  }
0x8f: {  	v33 =	vld [tilespmem:s31+$0x64B0]  }
0x90: {  	v34 =	vld [tilespmem:s31+$0x6530]  }
0x91: {  	v35 =	vld [tilespmem:s31+$0x65B0]  }
0x92: {  	v36 =	vld [tilespmem:s31+$0x6630]  }
0x93: {  	v37 =	vld [tilespmem:s31+$0x66B0]  }
0x94: {  	v38 =	vld [tilespmem:s31+$0x6730]  }
0x95: {  	v39 =	vld [tilespmem:s31+$0x67B0]  }
0x96: {  	v40 =	vld [tilespmem:s31+$0x6440]  }
0x97: {  	v41 =	vld [tilespmem:s31+$0x64C0]  }
0x98: {  	v49 =	vld [tilespmem:s31+$0x6460]  }
0x99: {  	v50 =	vld [tilespmem:s31+$0x6470]  }
0x9a: {  	v42 =	vld [tilespmem:s31+$0x6540]  }
0x9b: {  	v51 =	vld [tilespmem:s31+$0x64E0];
	v7 =	vadd.f32 v8, v7;
	v6 =	vadd.f32 v16, v6  }
0x9c: {  	v52 =	vld [tilespmem:s31+$0x64F0];
	v5 =	vadd.f32 v24, v5;
	v4 =	vadd.f32 v32, v4  }
0x9d: {  	v43 =	vld [tilespmem:s31+$0x65C0];
	v3 =	vadd.f32 v40, v3;
	v1 =	vadd.f32 v49, v1  }
0x9e: {  	v44 =	vld [tilespmem:s31+$0x6640];
	v0 =	vadd.f32 v50, v0;
	v7 =	vadd.f32 v9, v7  }
0x9f: {  	v53 =	vld [tilespmem:s31+$0x6560];
	v6 =	vadd.f32 v17, v6;
	v5 =	vadd.f32 v25, v5  }
0xa0: {  	v54 =	vld [tilespmem:s31+$0x6570];
	v4 =	vadd.f32 v33, v4;
	v3 =	vadd.f32 v41, v3  }
0xa1: {  	v45 =	vld [tilespmem:s31+$0x6650];
	v1 =	vadd.f32 v51, v1;
	v0 =	vadd.f32 v52, v0  }
0xa2: {  	v55 =	vld [tilespmem:s31+$0x65E0];
	v7 =	vadd.f32 v10, v7;
	v6 =	vadd.f32 v18, v6  }
0xa3: {  	v56 =	vld [tilespmem:s31+$0x65F0];
	v5 =	vadd.f32 v26, v5;
	v4 =	vadd.f32 v34, v4  }
0xa4: {  	v25 =	vld [tilespmem:s31+$0x6450];
	v3 =	vadd.f32 v42, v3;
	v1 =	vadd.f32 v53, v1  }
0xa5: {  	v46 =	vld [tilespmem:s31+$0x66D0];
	v0 =	vadd.f32 v54, v0;
	v7 =	vadd.f32 v11, v7  }
0xa6: {  	v57 =	vld [tilespmem:s31+$0x6660];
	v6 =	vadd.f32 v19, v6;
	v5 =	vadd.f32 v27, v5  }
0xa7: {  	v58 =	vld [tilespmem:s31+$0x6670];
	v4 =	vadd.f32 v35, v4;
	v3 =	vadd.f32 v43, v3  }
0xa8: {  	v32 =	vld [tilespmem:s31+$0x64D0];
	v1 =	vadd.f32 v55, v1;
	v0 =	vadd.f32 v56, v0  }
0xa9: {  	v59 =	vld [tilespmem:s31+$0x66E0];
	v2 =	vadd.f32 v25, v2;
	v7 =	vadd.f32 v12, v7  }
0xaa: {  	v8 =	vld [tilespmem:s31+$0x66C0];
	v6 =	vadd.f32 v20, v6;
	v5 =	vadd.f32 v28, v5  }
0xab: {  	v33 =	vld [tilespmem:s31+$0x6550];
	v4 =	vadd.f32 v36, v4;
	v3 =	vadd.f32 v44, v3  }
0xac: {  	v60 =	vld [tilespmem:s31+$0x66F0];
	v1 =	vadd.f32 v57, v1;
	v0 =	vadd.f32 v58, v0  }
0xad: {  	v34 =	vld [tilespmem:s31+$0x65D0];
	v2 =	vadd.f32 v32, v2;
	v7 =	vadd.f32 v13, v7  }
0xae: {  	v61 =	vld [tilespmem:s31+$0x6760];
	v6 =	vadd.f32 v21, v6;
	v5 =	vadd.f32 v29, v5  }
0xaf: {  	v16 =	vld [tilespmem:s31+$0x6740];
	v4 =	vadd.f32 v37, v4;
	v3 =	vadd.f32 v8, v3  }
0xb0: {  	v62 =	vld [tilespmem:s31+$0x6770];
	v1 =	vadd.f32 v59, v1;
	v2 =	vadd.f32 v33, v2  }
0xb1: {  	v47 =	vld [tilespmem:s31+$0x6750];
	v0 =	vadd.f32 v60, v0;
	v7 =	vadd.f32 v14, v7  }
0xb2: {  	v48 =	vld [tilespmem:s31+$0x67D0];
	v6 =	vadd.f32 v22, v6;
	v2 =	vadd.f32 v34, v2  }
0xb3: {  	v63 =	vld [tilespmem:s31+$0x67E0];
	v5 =	vadd.f32 v30, v5;
	v4 =	vadd.f32 v38, v4  }
0xb4: {  	s25 =	sadd.s32 $0x1000, s25;
	v24 =	vld [tilespmem:s31+$0x67C0];
	v3 =	vadd.f32 v16, v3;
	v2 =	vadd.f32 v45, v2  }
0xb5: {  	p0 =	sne.s32 s25, $0x19000;
	v8 =	vld [tilespmem:s31+$0x67F0];
	v1 =	vadd.f32 v61, v1;
	v0 =	vadd.f32 v62, v0  }
.Ltmp0:
0xb6: {  	v7 =	vadd.f32 v15, v7;
	v2 =	vadd.f32 v46, v2;
	(pc) =	sbr.rel @p0 .LBB2_2-.Ltmp0, $4  }
0xb7: {  	v6 =	vadd.f32 v23, v6;
	v5 =	vadd.f32 v31, v5  }
0xb8: {  	v4 =	vadd.f32 v39, v4;
	v2 =	vadd.f32 v47, v2  }
0xb9: {  	v3 =	vadd.f32 v24, v3;
	v1 =	vadd.f32 v63, v1  }
0xba: {  	s26 =	sadd.s32 $0x1, s26;
	v0 =	vadd.f32 v8, v0;
	v2 =	vadd.f32 v48, v2  }
0xbb: {  	v7 =	vmul.f32 $4.999999890e-03, v7  }
0xbc: {  	v6 =	vmul.f32 $4.999999890e-03, v6  }
0xbd: {  	v5 =	vmul.f32 $4.999999890e-03, v5;
	[tilespmem:$0xC800] =	vst v7  }
0xbe: {  	v4 =	vmul.f32 $4.999999890e-03, v4;
	[tilespmem:$0xC810] =	vst v6  }
0xbf: {  	v3 =	vmul.f32 $4.999999890e-03, v3;
	[tilespmem:$0xC820] =	vst v5  }
0xc0: {  	v1 =	vmul.f32 $4.999999890e-03, v1;
	[tilespmem:$0xC830] =	vst v4  }
0xc1: {  	v2 =	vmul.f32 $4.999999890e-03, v2;
	[tilespmem:$0xC840] =	vst v3  }
0xc2: {  	s24 =	sadd.s32 $0x1, s24;
	v0 =	vmul.f32 $4.999999890e-03, v0;
	[tilespmem:$0xC860] =	vst v1  }
0xc3: {  	p0 =	sne.s32 s24, s8;
	[tilespmem:$0xC850] =	vst v2  }
.Ltmp1:
0xc4: {  	[tilespmem:$0xC870] =	vst v0;
	(pc) =	sbr.rel @p0 .LBB2_1-.Ltmp1, $4  }
0xc5: {  	[hbm4b:s7+s3] =	stream.linear.scatter [tilespmem:s23], [sflag:$0x3], $0x80, $0x38;
	[tilespmem:$0x1C080] =	vst v63  }
0xc6: {  	_ =	swait.ge [sflag:s12], $0x80  }
0xc7: {  	[sflag:s12] =	ssyncset.done $0x0  }
0xc8: {  	[sflag:s12] =	ssyncadd.s32 $0xFFFFFF80  }
0xc9: {  	_ =	sfence.sel $0x180000  }
0xca: {  	[bflag:$0x0] =	sbarrier.arrive $0xFFFF  }
0xcb: {  	_ =	strace $0x90000047  }
0xcc: {  	s0 =	stileid.u32;
	[bflag:$0x2] =	sbarrier.arrive $0xFFFF  }
0xcd: {  	p0 =	sne.s32 s0, $0x0;
	s0 =	rddreg [dreg:$0x4]  }
0xce: {  	s0 =	sadd.s32 @!p0 $0x100000, s0  }
0xcf: {  	[sflag:s0] =	ssyncadd.tile.s32 @!p0 $0x1;
	_ =	shalt  }
.Lfunc_end2:
_tile_overlayer_lowered:
.L_overlay_start_2:
0xd0: {  	(tag) =	ssettag $0x2  }
0xd1: {  	s0 =	rddreg [dreg:$0x0];
	s2 =	stileid.u32  }
0xd2: {  	s1 =	rddreg [dreg:$0x1];
	p0 =	sne.s32 s2, $0x0  }
0xd3: {  	s3 =	rddreg [dreg:$0x2];
	[bflag:$0x3] =	sbarrier.arrive $0xFFFF;
	s2 =	simm.s32 @!p0 $0x1C03  }
0xd4: {  	[timem:s3], [sflag:s2] =	dma.local @!p0 [hbm:s0], s1  }
0xd5: {  	s0 =	simm.s32 @!p0 $0x3  }
0xd6: {  	_ =	swait.ge @!p0 [sflag:s0], s1  }
0xd7: {  	s1 =	ssub.s32 @!p0 $0x0, s1;
	[sflag:s0] =	ssyncset.done @!p0 $0x0  }
0xd8: {  	[sflag:s0] =	ssyncadd.s32 @!p0 s1  }
0xd9: {  	[bflag:$0x3] =	sbarrier.arrive $0xFFFF  }
0xda: {  	_ =	shalt  }

</sc_bundles>
